<compile_context>
chip_gen: v7x
topology: tpu7x:2x2x1
jax: 0.10.2.dev20260603
libtpu: 0.0.44.dev20260713+nightly
codegen_flags: <defaults>
</compile_context>

<pallas_src>
import functools

import jax
import jax.numpy as jnp
from jax import lax
from jax.experimental import pallas as pl
from jax.experimental.pallas import tpu as pltpu
from jax.experimental.pallas import tpu_sc as plsc

N = 10000
E = 160000
D = 256
H = 128
NS = 16
EPT = E // NS
C = 80
NCHUNK = EPT // C
RPT = 624


def _sc_aggregate(nf2, src, dst, edge_feat):
    mesh = plsc.VectorSubcoreMesh(core_axis_name="c", subcore_axis_name="s")

    @functools.partial(
        pl.kernel,
        mesh=mesh,
        out_type=jax.ShapeDtypeStruct((2 * N, H), jnp.float32),
        scratch_types=[
            pltpu.VMEM((C,), jnp.int32),
            pltpu.VMEM((C,), jnp.int32),
            pltpu.VMEM((C, H), jnp.float32),
            pltpu.VMEM((C, H), jnp.float32),
            pltpu.VMEM_SHARED((N, H), jnp.float32),
            pltpu.SemaphoreType.DMA,
        ],
    )
    def k(nf2_hbm, src_hbm, dst_hbm, ef_hbm, out_hbm,
          sidx, didx, rows, efv, acc, sem):
        c = lax.axis_index("c")
        s = lax.axis_index("s")
        pltpu.sync_copy(nf2_hbm.at[pl.ds(c * N + s * RPT, RPT)],
                        acc.at[pl.ds(s * RPT, RPT)])

        @pl.when(s == 0)
        def _():
            pltpu.sync_copy(nf2_hbm.at[pl.ds(c * N + NS * RPT, N - NS * RPT)],
                            acc.at[pl.ds(NS * RPT, N - NS * RPT)])

        plsc.subcore_barrier()

        base = s * EPT

        def chunk(j, carry):
            off = base + j * C
            pltpu.sync_copy(src_hbm.at[pl.ds(off, C)], sidx)
            pltpu.sync_copy(dst_hbm.at[pl.ds(off, C)], didx)
            for i in range(C // 16):
                sidx[pl.ds(i * 16, 16)] = sidx[pl.ds(i * 16, 16)] + c * N
            pltpu.async_copy(nf2_hbm.at[sidx], rows, sem).wait()
            pltpu.sync_copy(ef_hbm.at[pl.ds(off, C), pl.ds(c * H, H)], efv)

            def row(e, carry2):
                for kk in range(H // 16):
                    sl = pl.ds(kk * 16, 16)
                    v = rows[e, sl] + efv[e, sl]
                    rows[e, sl] = jnp.maximum(v, 0.0)
                return carry2

            lax.fori_loop(0, C, row, 0)
            pltpu.sync_copy(rows, acc.at[didx], add=True)
            return carry

        lax.fori_loop(0, NCHUNK, chunk, 0)
        plsc.subcore_barrier()
        pltpu.sync_copy(acc.at[pl.ds(s * RPT, RPT)],
                        out_hbm.at[pl.ds(c * N + s * RPT, RPT)])

        @pl.when(s == 0)
        def _():
            pltpu.sync_copy(acc.at[pl.ds(NS * RPT, N - NS * RPT)],
                            out_hbm.at[pl.ds(c * N + NS * RPT, N - NS * RPT)])

    return k(nf2, src, dst, edge_feat)



_R = 400
_NB = N // _R


def _tc1_body(a_ref, b_ref, wa_ref, wb_ref, bias_ref, h_ref, stats_ref, acc_ref):
    i = pl.program_id(0)
    h = (jnp.dot(a_ref[...], wa_ref[...], preferred_element_type=jnp.float32)
         + jnp.dot(b_ref[...], wb_ref[...], preferred_element_type=jnp.float32)
         + bias_ref[...])
    h = jnp.where(h > 0, h, 0.01 * h)
    h_ref[...] = h

    @pl.when(i == 0)
    def _():
        acc_ref[...] = jnp.zeros_like(acc_ref)

    acc_ref[0:1, :] += jnp.sum(h, axis=0, keepdims=True)
    acc_ref[1:2, :] += jnp.sum(h * h, axis=0, keepdims=True)

    @pl.when(i == _NB - 1)
    def _():
        stats_ref[...] = acc_ref[...]


def _tc2_body(h_ref, stats_ref, gamma_ref, beta_ref, out_ref):
    mean = stats_ref[0:1, :] * (1.0 / N)
    var = stats_ref[1:2, :] * (1.0 / N) - mean * mean
    inv = lax.rsqrt(var + 1e-5)
    out_ref[...] = (h_ref[...] - mean) * (inv * gamma_ref[...]) + beta_ref[...]


def kernel(node_feat, edge_index, edge_feat, W, b, gamma, beta):
    src = edge_index[0]
    dst = edge_index[1]
    nf2 = node_feat.reshape(N, 2, H).transpose(1, 0, 2).reshape(2 * N, H)

    rst2 = _sc_aggregate(nf2, src, dst, edge_feat)
    a = rst2[:N]
    bb = rst2[N:]

    wa = W[:, :H].T
    wb = W[:, H:].T
    bias = b.reshape(1, D)

    h, stats = pl.pallas_call(
        _tc1_body,
        grid=(_NB,),
        in_specs=[
            pl.BlockSpec((_R, H), lambda i: (i, 0)),
            pl.BlockSpec((_R, H), lambda i: (i, 0)),
            pl.BlockSpec((H, D), lambda i: (0, 0)),
            pl.BlockSpec((H, D), lambda i: (0, 0)),
            pl.BlockSpec((1, D), lambda i: (0, 0)),
        ],
        out_specs=[
            pl.BlockSpec((_R, D), lambda i: (i, 0)),
            pl.BlockSpec((2, D), lambda i: (0, 0)),
        ],
        out_shape=[
            jax.ShapeDtypeStruct((N, D), jnp.float32),
            jax.ShapeDtypeStruct((2, D), jnp.float32),
        ],
        scratch_shapes=[pltpu.VMEM((2, D), jnp.float32)],
    )(a, bb, wa, wb, bias)

    out = pl.pallas_call(
        _tc2_body,
        grid=(_NB,),
        in_specs=[
            pl.BlockSpec((_R, D), lambda i: (i, 0)),
            pl.BlockSpec((2, D), lambda i: (0, 0)),
            pl.BlockSpec((1, D), lambda i: (0, 0)),
            pl.BlockSpec((1, D), lambda i: (0, 0)),
        ],
        out_specs=pl.BlockSpec((_R, D), lambda i: (i, 0)),
        out_shape=jax.ShapeDtypeStruct((N, D), jnp.float32),
    )(h, stats, gamma.reshape(1, D), beta.reshape(1, D))

    return out

# --- scband reference (transcript-rebuilt; emitter-appended) ---
"""Pipeline reference for scband-cigconv-17051020165712 (READ-ONLY COPY).

The authoritative reference and input builder live on the scoring server;
editing this copy changes nothing except your own understanding.
"""

import jax, jax.numpy as jnp
import numpy as np

N = 10000
E = 160000
D = 256

def setup_inputs(seed: int = 0) -> dict:
    key = jax.random.key(seed)
    k1, k2, k3, k4, k5 = jax.random.split(key, 5)
    node_feat = jax.random.normal(k1, (N, D), dtype=jnp.float32)
    edge_index = jax.random.randint(k2, (2, E), 0, N, dtype=jnp.int32)
    edge_feat = jax.random.normal(k3, (E, D), dtype=jnp.float32)
    # Linear(input_dim=256, output_dim=256)
    W = jax.random.normal(k4, (D, D), dtype=jnp.float32) * (1.0 / np.sqrt(D))
    b = jnp.zeros((D,), dtype=jnp.float32)
    # BatchNorm1d(output_dim) affine params
    gamma = jnp.ones((D,), dtype=jnp.float32)
    beta = jnp.zeros((D,), dtype=jnp.float32)
    return {"node_feat": node_feat, "edge_index": edge_index, "edge_feat": edge_feat,
            "W": W, "b": b, "gamma": gamma, "beta": beta}

def reference(node_feat, edge_index, edge_feat, W, b, gamma, beta):
    src = edge_index[0]
    dst = edge_index[1]
    # message: relu(src_feat + edge_feat)
    m = jax.nn.relu(jnp.take(node_feat, src, axis=0) + edge_feat)
    # fn.sum('m', 'neigh') -> scatter-add into dst nodes
    neigh = jax.ops.segment_sum(m, dst, num_segments=N)
    rst = node_feat + neigh
    # mlp: Linear -> Dropout (identity, eval) -> LeakyReLU(0.01) -> BatchNorm1d (batch stats)
    h = rst @ W.T + b
    h = jnp.where(h > 0, h, 0.01 * h)
    mean = jnp.mean(h, axis=0)
    var = jnp.var(h, axis=0)
    h = (h - mean) / jnp.sqrt(var + 1e-5) * gamma + beta
    return h

if __name__ == "__main__":
    import jax
    _d = setup_inputs()
    print(jax.jit(kernel)(*tuple(_d.values())))

</pallas_src>

<mosaic_0001>
#map = affine_map<(d0, d1) -> (0, 0)>
#map1 = affine_map<(d0, d1) -> (0)>
module attributes {stable_mosaic.version = 14 : i64} {
  func.func @k(%arg0: i32, %arg1: i32, %arg2: memref<20000x128xf32, #tpu.memory_space<hbm>>, %arg3: memref<160000xi32, #tpu.memory_space<hbm>>, %arg4: memref<160000xi32, #tpu.memory_space<hbm>>, %arg5: memref<160000x256xf32, #tpu.memory_space<hbm>>, %arg6: memref<20000x128xf32, #tpu.memory_space<hbm>>, %arg7: memref<80xi32, #tpu.memory_space<vmem>>, %arg8: memref<80xi32, #tpu.memory_space<vmem>>, %arg9: memref<80x128xf32, #tpu.memory_space<vmem>>, %arg10: memref<80x128xf32, #tpu.memory_space<vmem>>, %arg11: memref<10000x128xf32, #tpu.memory_space<vmem_shared>>, %arg12: memref<!tpu.dma_semaphore, #tpu.memory_space<semaphore_mem>>) attributes {dimension_semantics = [#tpu.dimension_semantics<core_parallel>, #tpu.dimension_semantics<subcore_parallel>], iteration_bounds = array<i64: 2, 16>, scalar_prefetch = 0 : i64, scratch_operands = 6 : i64, tpu.core_type = #tpu.core_type<sc_vector_subcore>, window_params = [{transform_indices = #map}, {transform_indices = #map1}, {transform_indices = #map1}, {transform_indices = #map}, {transform_indices = #map}]} {
    %mul3A = arith.constant 10000 : i32
    %mul3A_0 = arith.muli %arg0, %mul3A : i32
    %mul3A_1 = arith.constant 624 : i32
    %mul3A_2 = arith.muli %arg1, %mul3A_1 : i32
    %add3A = arith.addi %mul3A_0, %mul3A_2 : i32
    %mul3A_3 = arith.constant 624 : i32
    %mul3A_4 = arith.muli %arg1, %mul3A_3 : i32
    "tpu.region"() ({
      %run_scoped3A = tpu.sem_alloc : memref<!tpu.dma_semaphore, #tpu.memory_space<semaphore_mem>>
      %dma_start3A = arith.constant 0 : i32
      %dma_start3A_27 = tpu.memref_slice %arg11[%mul3A_4, %dma_start3A] : memref<10000x128xf32, #tpu.memory_space<vmem_shared>> -> memref<624x128xf32, #tpu.memory_space<vmem_shared>>
      %dma_start3A_28 = arith.constant 0 : i32
      %dma_start3A_29 = tpu.memref_slice %arg2[%add3A, %dma_start3A_28] : memref<20000x128xf32, #tpu.memory_space<hbm>> -> memref<624x128xf32, #tpu.memory_space<hbm>>
      tpu.enqueue_dma source(%dma_start3A_29 : memref<624x128xf32, #tpu.memory_space<hbm>>) target(%dma_start3A_27 : memref<624x128xf32, #tpu.memory_space<vmem_shared>>) target_semaphore(%run_scoped3A : memref<!tpu.dma_semaphore, #tpu.memory_space<semaphore_mem>>)
      %dma_wait3A = arith.constant 0 : i32
      %dma_wait3A_30 = tpu.memref_slice %arg11[%mul3A_4, %dma_wait3A] : memref<10000x128xf32, #tpu.memory_space<vmem_shared>> -> memref<624x128xf32, #tpu.memory_space<vmem_shared>>
      %dma_wait3A_31 = arith.constant 0 : i32
      %dma_wait3A_32 = tpu.memref_slice %arg2[%add3A, %dma_wait3A_31] : memref<20000x128xf32, #tpu.memory_space<hbm>> -> memref<624x128xf32, #tpu.memory_space<hbm>>
      tpu.wait_dma2 semaphore(%run_scoped3A : memref<!tpu.dma_semaphore, #tpu.memory_space<semaphore_mem>>) src(%dma_wait3A_32 : memref<624x128xf32, #tpu.memory_space<hbm>>) dst(%dma_wait3A_30 : memref<624x128xf32, #tpu.memory_space<vmem_shared>>)
      tpu.yield
    }) : () -> ()
    %eq3A = arith.constant 0 : i32
    %eq3A_5 = arith.cmpi eq, %arg1, %eq3A : i32
    %convert_element_type3A = arith.extui %eq3A_5 : i1 to i32
    %cond3A = arith.constant 0 : i32
    %cond3A_6 = arith.cmpi ne, %convert_element_type3A, %cond3A : i32
    scf.if %cond3A_6 {
      %mul3A_27 = arith.constant 10000 : i32
      %mul3A_28 = arith.muli %arg0, %mul3A_27 : i32
      %add3A_29 = arith.constant 9984 : i32
      %add3A_30 = arith.addi %mul3A_28, %add3A_29 : i32
      "tpu.region"() ({
        %run_scoped3A = tpu.sem_alloc : memref<!tpu.dma_semaphore, #tpu.memory_space<semaphore_mem>>
        %dma_start3A = arith.constant 9984 : i32
        %dma_start3A_31 = arith.constant 0 : i32
        %dma_start3A_32 = tpu.memref_slice %arg11[%dma_start3A, %dma_start3A_31] : memref<10000x128xf32, #tpu.memory_space<vmem_shared>> -> memref<16x128xf32, #tpu.memory_space<vmem_shared>>
        %dma_start3A_33 = arith.constant 0 : i32
        %dma_start3A_34 = tpu.memref_slice %arg2[%add3A_30, %dma_start3A_33] : memref<20000x128xf32, #tpu.memory_space<hbm>> -> memref<16x128xf32, #tpu.memory_space<hbm>>
        tpu.enqueue_dma source(%dma_start3A_34 : memref<16x128xf32, #tpu.memory_space<hbm>>) target(%dma_start3A_32 : memref<16x128xf32, #tpu.memory_space<vmem_shared>>) target_semaphore(%run_scoped3A : memref<!tpu.dma_semaphore, #tpu.memory_space<semaphore_mem>>)
        %dma_wait3A = arith.constant 9984 : i32
        %dma_wait3A_35 = arith.constant 0 : i32
        %dma_wait3A_36 = tpu.memref_slice %arg11[%dma_wait3A, %dma_wait3A_35] : memref<10000x128xf32, #tpu.memory_space<vmem_shared>> -> memref<16x128xf32, #tpu.memory_space<vmem_shared>>
        %dma_wait3A_37 = arith.constant 0 : i32
        %dma_wait3A_38 = tpu.memref_slice %arg2[%add3A_30, %dma_wait3A_37] : memref<20000x128xf32, #tpu.memory_space<hbm>> -> memref<16x128xf32, #tpu.memory_space<hbm>>
        tpu.wait_dma2 semaphore(%run_scoped3A : memref<!tpu.dma_semaphore, #tpu.memory_space<semaphore_mem>>) src(%dma_wait3A_38 : memref<16x128xf32, #tpu.memory_space<hbm>>) dst(%dma_wait3A_36 : memref<16x128xf32, #tpu.memory_space<vmem_shared>>)
        tpu.yield
      }) : () -> ()
    } else {
    }
    %barrier3A = arith.constant 0 : index
    tpu.barrier barrier_id(%barrier3A)
    %mul3A_7 = arith.constant 10000 : i32
    %mul3A_8 = arith.muli %arg1, %mul3A_7 : i32
    %scan3A = arith.constant 0 : i32
    %scan3A_9 = arith.constant 0 : i32
    %scan3A_10 = arith.constant 125 : i32
    %scan3A_11 = arith.addi %scan3A_9, %scan3A_10 : i32
    %scan3A_12 = arith.constant 1 : i32
    scf.for %scan3A_27 = %scan3A_9 to %scan3A_11 step %scan3A_12  : i32 {
      %mul3A_28 = arith.constant 80 : i32
      %mul3A_29 = arith.muli %scan3A_27, %mul3A_28 : i32
      %add3A_30 = arith.addi %mul3A_8, %mul3A_29 : i32
      "tpu.region"() ({
        %run_scoped3A = tpu.sem_alloc : memref<!tpu.dma_semaphore, #tpu.memory_space<semaphore_mem>>
        %dma_start3A_96 = tpu.memref_slice %arg3[%add3A_30] : memref<160000xi32, #tpu.memory_space<hbm>> -> memref<80xi32, #tpu.memory_space<hbm>>
        %dma_start3A_97 = tpu.memref_slice %arg3[%add3A_30] : memref<160000xi32, #tpu.memory_space<hbm>> -> memref<80xi32, #tpu.memory_space<hbm>>
        tpu.enqueue_dma source(%dma_start3A_97 : memref<80xi32, #tpu.memory_space<hbm>>) target(%arg7 : memref<80xi32, #tpu.memory_space<vmem>>) target_semaphore(%run_scoped3A : memref<!tpu.dma_semaphore, #tpu.memory_space<semaphore_mem>>)
        %dma_wait3A_98 = tpu.memref_slice %arg3[%add3A_30] : memref<160000xi32, #tpu.memory_space<hbm>> -> memref<80xi32, #tpu.memory_space<hbm>>
        %dma_wait3A_99 = tpu.memref_slice %arg3[%add3A_30] : memref<160000xi32, #tpu.memory_space<hbm>> -> memref<80xi32, #tpu.memory_space<hbm>>
        tpu.wait_dma2 semaphore(%run_scoped3A : memref<!tpu.dma_semaphore, #tpu.memory_space<semaphore_mem>>) src(%dma_wait3A_99 : memref<80xi32, #tpu.memory_space<hbm>>) dst(%arg7 : memref<80xi32, #tpu.memory_space<vmem>>)
        tpu.yield
      }) : () -> ()
      "tpu.region"() ({
        %run_scoped3A = tpu.sem_alloc : memref<!tpu.dma_semaphore, #tpu.memory_space<semaphore_mem>>
        %dma_start3A_96 = tpu.memref_slice %arg4[%add3A_30] : memref<160000xi32, #tpu.memory_space<hbm>> -> memref<80xi32, #tpu.memory_space<hbm>>
        %dma_start3A_97 = tpu.memref_slice %arg4[%add3A_30] : memref<160000xi32, #tpu.memory_space<hbm>> -> memref<80xi32, #tpu.memory_space<hbm>>
        tpu.enqueue_dma source(%dma_start3A_97 : memref<80xi32, #tpu.memory_space<hbm>>) target(%arg8 : memref<80xi32, #tpu.memory_space<vmem>>) target_semaphore(%run_scoped3A : memref<!tpu.dma_semaphore, #tpu.memory_space<semaphore_mem>>)
        %dma_wait3A_98 = tpu.memref_slice %arg4[%add3A_30] : memref<160000xi32, #tpu.memory_space<hbm>> -> memref<80xi32, #tpu.memory_space<hbm>>
        %dma_wait3A_99 = tpu.memref_slice %arg4[%add3A_30] : memref<160000xi32, #tpu.memory_space<hbm>> -> memref<80xi32, #tpu.memory_space<hbm>>
        tpu.wait_dma2 semaphore(%run_scoped3A : memref<!tpu.dma_semaphore, #tpu.memory_space<semaphore_mem>>) src(%dma_wait3A_99 : memref<80xi32, #tpu.memory_space<hbm>>) dst(%arg8 : memref<80xi32, #tpu.memory_space<vmem>>)
        tpu.yield
      }) : () -> ()
      %get3A = arith.constant 0 : index
      %get3A_31 = tpu.vector_load %arg7[%get3A] {strides = array<i32>} : memref<80xi32, #tpu.memory_space<vmem>>, vector<16xi32>,
      %get3A_32 = vector.shape_cast %get3A_31 : vector<16xi32> to vector<16xi32>
      %mul3A_33 = arith.constant 10000 : i32
      %mul3A_34 = arith.muli %arg0, %mul3A_33 : i32
      %add3A_35 = vector.broadcast %mul3A_34 : i32 to vector<16xi32>
      %add3A_36 = arith.addi %get3A_32, %add3A_35 : vector<16xi32>
      %swap3A = arith.constant 0 : index
      %swap3A_37 = tpu.vector_load %arg7[%swap3A] {strides = array<i32>} : memref<80xi32, #tpu.memory_space<vmem>>, vector<16xi32>,
      %swap3A_38 = vector.shape_cast %swap3A_37 : vector<16xi32> to vector<16xi32>
      %swap3A_39 = vector.shape_cast %add3A_36 : vector<16xi32> to vector<16xi32>
      tpu.vector_store %arg7[%swap3A], %swap3A_39 {strides = array<i32>} : memref<80xi32, #tpu.memory_space<vmem>>, vector<16xi32>,
      %get3A_40 = arith.constant 16 : index
      %get3A_41 = tpu.vector_load %arg7[%get3A_40] {strides = array<i32>} : memref<80xi32, #tpu.memory_space<vmem>>, vector<16xi32>,
      %get3A_42 = vector.shape_cast %get3A_41 : vector<16xi32> to vector<16xi32>
      %mul3A_43 = arith.constant 10000 : i32
      %mul3A_44 = arith.muli %arg0, %mul3A_43 : i32
      %add3A_45 = vector.broadcast %mul3A_44 : i32 to vector<16xi32>
      %add3A_46 = arith.addi %get3A_42, %add3A_45 : vector<16xi32>
      %swap3A_47 = arith.constant 16 : index
      %swap3A_48 = tpu.vector_load %arg7[%swap3A_47] {strides = array<i32>} : memref<80xi32, #tpu.memory_space<vmem>>, vector<16xi32>,
      %swap3A_49 = vector.shape_cast %swap3A_48 : vector<16xi32> to vector<16xi32>
      %swap3A_50 = vector.shape_cast %add3A_46 : vector<16xi32> to vector<16xi32>
      tpu.vector_store %arg7[%swap3A_47], %swap3A_50 {strides = array<i32>} : memref<80xi32, #tpu.memory_space<vmem>>, vector<16xi32>,
      %get3A_51 = arith.constant 32 : index
      %get3A_52 = tpu.vector_load %arg7[%get3A_51] {strides = array<i32>} : memref<80xi32, #tpu.memory_space<vmem>>, vector<16xi32>,
      %get3A_53 = vector.shape_cast %get3A_52 : vector<16xi32> to vector<16xi32>
      %mul3A_54 = arith.constant 10000 : i32
      %mul3A_55 = arith.muli %arg0, %mul3A_54 : i32
      %add3A_56 = vector.broadcast %mul3A_55 : i32 to vector<16xi32>
      %add3A_57 = arith.addi %get3A_53, %add3A_56 : vector<16xi32>
      %swap3A_58 = arith.constant 32 : index
      %swap3A_59 = tpu.vector_load %arg7[%swap3A_58] {strides = array<i32>} : memref<80xi32, #tpu.memory_space<vmem>>, vector<16xi32>,
      %swap3A_60 = vector.shape_cast %swap3A_59 : vector<16xi32> to vector<16xi32>
      %swap3A_61 = vector.shape_cast %add3A_57 : vector<16xi32> to vector<16xi32>
      tpu.vector_store %arg7[%swap3A_58], %swap3A_61 {strides = array<i32>} : memref<80xi32, #tpu.memory_space<vmem>>, vector<16xi32>,
      %get3A_62 = arith.constant 48 : index
      %get3A_63 = tpu.vector_load %arg7[%get3A_62] {strides = array<i32>} : memref<80xi32, #tpu.memory_space<vmem>>, vector<16xi32>,
      %get3A_64 = vector.shape_cast %get3A_63 : vector<16xi32> to vector<16xi32>
      %mul3A_65 = arith.constant 10000 : i32
      %mul3A_66 = arith.muli %arg0, %mul3A_65 : i32
      %add3A_67 = vector.broadcast %mul3A_66 : i32 to vector<16xi32>
      %add3A_68 = arith.addi %get3A_64, %add3A_67 : vector<16xi32>
      %swap3A_69 = arith.constant 48 : index
      %swap3A_70 = tpu.vector_load %arg7[%swap3A_69] {strides = array<i32>} : memref<80xi32, #tpu.memory_space<vmem>>, vector<16xi32>,
      %swap3A_71 = vector.shape_cast %swap3A_70 : vector<16xi32> to vector<16xi32>
      %swap3A_72 = vector.shape_cast %add3A_68 : vector<16xi32> to vector<16xi32>
      tpu.vector_store %arg7[%swap3A_69], %swap3A_72 {strides = array<i32>} : memref<80xi32, #tpu.memory_space<vmem>>, vector<16xi32>,
      %get3A_73 = arith.constant 64 : index
      %get3A_74 = tpu.vector_load %arg7[%get3A_73] {strides = array<i32>} : memref<80xi32, #tpu.memory_space<vmem>>, vector<16xi32>,
      %get3A_75 = vector.shape_cast %get3A_74 : vector<16xi32> to vector<16xi32>
      %mul3A_76 = arith.constant 10000 : i32
      %mul3A_77 = arith.muli %arg0, %mul3A_76 : i32
      %add3A_78 = vector.broadcast %mul3A_77 : i32 to vector<16xi32>
      %add3A_79 = arith.addi %get3A_75, %add3A_78 : vector<16xi32>
      %swap3A_80 = arith.constant 64 : index
      %swap3A_81 = tpu.vector_load %arg7[%swap3A_80] {strides = array<i32>} : memref<80xi32, #tpu.memory_space<vmem>>, vector<16xi32>,
      %swap3A_82 = vector.shape_cast %swap3A_81 : vector<16xi32> to vector<16xi32>
      %swap3A_83 = vector.shape_cast %add3A_79 : vector<16xi32> to vector<16xi32>
      tpu.vector_store %arg7[%swap3A_80], %swap3A_83 {strides = array<i32>} : memref<80xi32, #tpu.memory_space<vmem>>, vector<16xi32>,
      %dma_start3A = arith.constant 0 : i32
      %dma_start3A_84 = arith.constant 0 : i32
      %dma_start3A_85 = tpu.memref_slice %arg2[%dma_start3A, %dma_start3A_84] : memref<20000x128xf32, #tpu.memory_space<hbm>> -> memref<20000x128xf32, #tpu.memory_space<hbm>>
      tpu.enqueue_indirect_dma source(%dma_start3A_85 : memref<20000x128xf32, #tpu.memory_space<hbm>>) target(%arg9 : memref<80x128xf32, #tpu.memory_space<vmem>>) offsets(%arg7 : memref<80xi32, #tpu.memory_space<vmem>>) semaphore(%arg12 : memref<!tpu.dma_semaphore, #tpu.memory_space<semaphore_mem>>)
      %dma_wait3A = arith.constant 0 : i32
      %dma_wait3A_86 = arith.constant 0 : i32
      %dma_wait3A_87 = tpu.memref_slice %arg2[%dma_wait3A, %dma_wait3A_86] : memref<20000x128xf32, #tpu.memory_space<hbm>> -> memref<20000x128xf32, #tpu.memory_space<hbm>>
      tpu.wait_indirect_dma semaphore(%arg12 : memref<!tpu.dma_semaphore, #tpu.memory_space<semaphore_mem>>) src(%dma_wait3A_87 : memref<20000x128xf32, #tpu.memory_space<hbm>>) dst(%arg9 : memref<80x128xf32, #tpu.memory_space<vmem>>)
      %mul3A_88 = arith.constant 128 : i32
      %mul3A_89 = arith.muli %arg0, %mul3A_88 : i32
      "tpu.region"() ({
        %run_scoped3A = tpu.sem_alloc : memref<!tpu.dma_semaphore, #tpu.memory_space<semaphore_mem>>
        %dma_start3A_96 = tpu.memref_slice %arg5[%add3A_30, %mul3A_89] : memref<160000x256xf32, #tpu.memory_space<hbm>> -> memref<80x128xf32, #tpu.memory_space<hbm>>
        %dma_start3A_97 = tpu.memref_slice %arg5[%add3A_30, %mul3A_89] : memref<160000x256xf32, #tpu.memory_space<hbm>> -> memref<80x128xf32, #tpu.memory_space<hbm>>
        tpu.enqueue_dma source(%dma_start3A_97 : memref<80x128xf32, #tpu.memory_space<hbm>>) target(%arg10 : memref<80x128xf32, #tpu.memory_space<vmem>>) target_semaphore(%run_scoped3A : memref<!tpu.dma_semaphore, #tpu.memory_space<semaphore_mem>>)
        %dma_wait3A_98 = tpu.memref_slice %arg5[%add3A_30, %mul3A_89] : memref<160000x256xf32, #tpu.memory_space<hbm>> -> memref<80x128xf32, #tpu.memory_space<hbm>>
        %dma_wait3A_99 = tpu.memref_slice %arg5[%add3A_30, %mul3A_89] : memref<160000x256xf32, #tpu.memory_space<hbm>> -> memref<80x128xf32, #tpu.memory_space<hbm>>
        tpu.wait_dma2 semaphore(%run_scoped3A : memref<!tpu.dma_semaphore, #tpu.memory_space<semaphore_mem>>) src(%dma_wait3A_99 : memref<80x128xf32, #tpu.memory_space<hbm>>) dst(%arg10 : memref<80x128xf32, #tpu.memory_space<vmem>>)
        tpu.yield
      }) : () -> ()
      %scan3A_90 = arith.constant 0 : i32
      %scan3A_91 = arith.constant 0 : i32
      %scan3A_92 = arith.constant 80 : i32
      %scan3A_93 = arith.addi %scan3A_91, %scan3A_92 : i32
      %scan3A_94 = arith.constant 1 : i32
      scf.for %scan3A_96 = %scan3A_91 to %scan3A_93 step %scan3A_94  : i32 {
        %get3A_97 = arith.index_cast %scan3A_96 : i32 to index
        %get3A_98 = arith.constant 0 : index
        %get3A_99 = tpu.vector_load %arg9[%get3A_97, %get3A_98] {strides = array<i32>} : memref<80x128xf32, #tpu.memory_space<vmem>>, vector<1x16xf32>,
        %get3A_100 = vector.shape_cast %get3A_99 : vector<1x16xf32> to vector<16xf32>
        %get3A_101 = arith.index_cast %scan3A_96 : i32 to index
        %get3A_102 = arith.constant 0 : index
        %get3A_103 = tpu.vector_load %arg10[%get3A_101, %get3A_102] {strides = array<i32>} : memref<80x128xf32, #tpu.memory_space<vmem>>, vector<1x16xf32>,
        %get3A_104 = vector.shape_cast %get3A_103 : vector<1x16xf32> to vector<16xf32>
        %add3A_105 = arith.addf %get3A_100, %get3A_104 : vector<16xf32>
        %max3A = arith.constant 0.000000e+00 : f32
        %max3A_106 = vector.broadcast %max3A : f32 to vector<16xf32>
        %max3A_107 = arith.maximumf %add3A_105, %max3A_106 : vector<16xf32>
        %swap3A_108 = arith.index_cast %scan3A_96 : i32 to index
        %swap3A_109 = arith.constant 0 : index
        %swap3A_110 = tpu.vector_load %arg9[%swap3A_108, %swap3A_109] {strides = array<i32>} : memref<80x128xf32, #tpu.memory_space<vmem>>, vector<1x16xf32>,
        %swap3A_111 = vector.shape_cast %swap3A_110 : vector<1x16xf32> to vector<16xf32>
        %swap3A_112 = vector.shape_cast %max3A_107 : vector<16xf32> to vector<1x16xf32>
        tpu.vector_store %arg9[%swap3A_108, %swap3A_109], %swap3A_112 {strides = array<i32>} : memref<80x128xf32, #tpu.memory_space<vmem>>, vector<1x16xf32>,
        %get3A_113 = arith.index_cast %scan3A_96 : i32 to index
        %get3A_114 = arith.constant 16 : index
        %get3A_115 = tpu.vector_load %arg9[%get3A_113, %get3A_114] {strides = array<i32>} : memref<80x128xf32, #tpu.memory_space<vmem>>, vector<1x16xf32>,
        %get3A_116 = vector.shape_cast %get3A_115 : vector<1x16xf32> to vector<16xf32>
        %get3A_117 = arith.index_cast %scan3A_96 : i32 to index
        %get3A_118 = arith.constant 16 : index
        %get3A_119 = tpu.vector_load %arg10[%get3A_117, %get3A_118] {strides = array<i32>} : memref<80x128xf32, #tpu.memory_space<vmem>>, vector<1x16xf32>,
        %get3A_120 = vector.shape_cast %get3A_119 : vector<1x16xf32> to vector<16xf32>
        %add3A_121 = arith.addf %get3A_116, %get3A_120 : vector<16xf32>
        %max3A_122 = arith.constant 0.000000e+00 : f32
        %max3A_123 = vector.broadcast %max3A_122 : f32 to vector<16xf32>
        %max3A_124 = arith.maximumf %add3A_121, %max3A_123 : vector<16xf32>
        %swap3A_125 = arith.index_cast %scan3A_96 : i32 to index
        %swap3A_126 = arith.constant 16 : index
        %swap3A_127 = tpu.vector_load %arg9[%swap3A_125, %swap3A_126] {strides = array<i32>} : memref<80x128xf32, #tpu.memory_space<vmem>>, vector<1x16xf32>,
        %swap3A_128 = vector.shape_cast %swap3A_127 : vector<1x16xf32> to vector<16xf32>
        %swap3A_129 = vector.shape_cast %max3A_124 : vector<16xf32> to vector<1x16xf32>
        tpu.vector_store %arg9[%swap3A_125, %swap3A_126], %swap3A_129 {strides = array<i32>} : memref<80x128xf32, #tpu.memory_space<vmem>>, vector<1x16xf32>,
        %get3A_130 = arith.index_cast %scan3A_96 : i32 to index
        %get3A_131 = arith.constant 32 : index
        %get3A_132 = tpu.vector_load %arg9[%get3A_130, %get3A_131] {strides = array<i32>} : memref<80x128xf32, #tpu.memory_space<vmem>>, vector<1x16xf32>,
        %get3A_133 = vector.shape_cast %get3A_132 : vector<1x16xf32> to vector<16xf32>
        %get3A_134 = arith.index_cast %scan3A_96 : i32 to index
        %get3A_135 = arith.constant 32 : index
        %get3A_136 = tpu.vector_load %arg10[%get3A_134, %get3A_135] {strides = array<i32>} : memref<80x128xf32, #tpu.memory_space<vmem>>, vector<1x16xf32>,
        %get3A_137 = vector.shape_cast %get3A_136 : vector<1x16xf32> to vector<16xf32>
        %add3A_138 = arith.addf %get3A_133, %get3A_137 : vector<16xf32>
        %max3A_139 = arith.constant 0.000000e+00 : f32
        %max3A_140 = vector.broadcast %max3A_139 : f32 to vector<16xf32>
        %max3A_141 = arith.maximumf %add3A_138, %max3A_140 : vector<16xf32>
        %swap3A_142 = arith.index_cast %scan3A_96 : i32 to index
        %swap3A_143 = arith.constant 32 : index
        %swap3A_144 = tpu.vector_load %arg9[%swap3A_142, %swap3A_143] {strides = array<i32>} : memref<80x128xf32, #tpu.memory_space<vmem>>, vector<1x16xf32>,
        %swap3A_145 = vector.shape_cast %swap3A_144 : vector<1x16xf32> to vector<16xf32>
        %swap3A_146 = vector.shape_cast %max3A_141 : vector<16xf32> to vector<1x16xf32>
        tpu.vector_store %arg9[%swap3A_142, %swap3A_143], %swap3A_146 {strides = array<i32>} : memref<80x128xf32, #tpu.memory_space<vmem>>, vector<1x16xf32>,
        %get3A_147 = arith.index_cast %scan3A_96 : i32 to index
        %get3A_148 = arith.constant 48 : index
        %get3A_149 = tpu.vector_load %arg9[%get3A_147, %get3A_148] {strides = array<i32>} : memref<80x128xf32, #tpu.memory_space<vmem>>, vector<1x16xf32>,
        %get3A_150 = vector.shape_cast %get3A_149 : vector<1x16xf32> to vector<16xf32>
        %get3A_151 = arith.index_cast %scan3A_96 : i32 to index
        %get3A_152 = arith.constant 48 : index
        %get3A_153 = tpu.vector_load %arg10[%get3A_151, %get3A_152] {strides = array<i32>} : memref<80x128xf32, #tpu.memory_space<vmem>>, vector<1x16xf32>,
        %get3A_154 = vector.shape_cast %get3A_153 : vector<1x16xf32> to vector<16xf32>
        %add3A_155 = arith.addf %get3A_150, %get3A_154 : vector<16xf32>
        %max3A_156 = arith.constant 0.000000e+00 : f32
        %max3A_157 = vector.broadcast %max3A_156 : f32 to vector<16xf32>
        %max3A_158 = arith.maximumf %add3A_155, %max3A_157 : vector<16xf32>
        %swap3A_159 = arith.index_cast %scan3A_96 : i32 to index
        %swap3A_160 = arith.constant 48 : index
        %swap3A_161 = tpu.vector_load %arg9[%swap3A_159, %swap3A_160] {strides = array<i32>} : memref<80x128xf32, #tpu.memory_space<vmem>>, vector<1x16xf32>,
        %swap3A_162 = vector.shape_cast %swap3A_161 : vector<1x16xf32> to vector<16xf32>
        %swap3A_163 = vector.shape_cast %max3A_158 : vector<16xf32> to vector<1x16xf32>
        tpu.vector_store %arg9[%swap3A_159, %swap3A_160], %swap3A_163 {strides = array<i32>} : memref<80x128xf32, #tpu.memory_space<vmem>>, vector<1x16xf32>,
        %get3A_164 = arith.index_cast %scan3A_96 : i32 to index
        %get3A_165 = arith.constant 64 : index
        %get3A_166 = tpu.vector_load %arg9[%get3A_164, %get3A_165] {strides = array<i32>} : memref<80x128xf32, #tpu.memory_space<vmem>>, vector<1x16xf32>,
        %get3A_167 = vector.shape_cast %get3A_166 : vector<1x16xf32> to vector<16xf32>
        %get3A_168 = arith.index_cast %scan3A_96 : i32 to index
        %get3A_169 = arith.constant 64 : index
        %get3A_170 = tpu.vector_load %arg10[%get3A_168, %get3A_169] {strides = array<i32>} : memref<80x128xf32, #tpu.memory_space<vmem>>, vector<1x16xf32>,
        %get3A_171 = vector.shape_cast %get3A_170 : vector<1x16xf32> to vector<16xf32>
        %add3A_172 = arith.addf %get3A_167, %get3A_171 : vector<16xf32>
        %max3A_173 = arith.constant 0.000000e+00 : f32
        %max3A_174 = vector.broadcast %max3A_173 : f32 to vector<16xf32>
        %max3A_175 = arith.maximumf %add3A_172, %max3A_174 : vector<16xf32>
        %swap3A_176 = arith.index_cast %scan3A_96 : i32 to index
        %swap3A_177 = arith.constant 64 : index
        %swap3A_178 = tpu.vector_load %arg9[%swap3A_176, %swap3A_177] {strides = array<i32>} : memref<80x128xf32, #tpu.memory_space<vmem>>, vector<1x16xf32>,
        %swap3A_179 = vector.shape_cast %swap3A_178 : vector<1x16xf32> to vector<16xf32>
        %swap3A_180 = vector.shape_cast %max3A_175 : vector<16xf32> to vector<1x16xf32>
        tpu.vector_store %arg9[%swap3A_176, %swap3A_177], %swap3A_180 {strides = array<i32>} : memref<80x128xf32, #tpu.memory_space<vmem>>, vector<1x16xf32>,
        %get3A_181 = arith.index_cast %scan3A_96 : i32 to index
        %get3A_182 = arith.constant 80 : index
        %get3A_183 = tpu.vector_load %arg9[%get3A_181, %get3A_182] {strides = array<i32>} : memref<80x128xf32, #tpu.memory_space<vmem>>, vector<1x16xf32>,
        %get3A_184 = vector.shape_cast %get3A_183 : vector<1x16xf32> to vector<16xf32>
        %get3A_185 = arith.index_cast %scan3A_96 : i32 to index
        %get3A_186 = arith.constant 80 : index
        %get3A_187 = tpu.vector_load %arg10[%get3A_185, %get3A_186] {strides = array<i32>} : memref<80x128xf32, #tpu.memory_space<vmem>>, vector<1x16xf32>,
        %get3A_188 = vector.shape_cast %get3A_187 : vector<1x16xf32> to vector<16xf32>
        %add3A_189 = arith.addf %get3A_184, %get3A_188 : vector<16xf32>
        %max3A_190 = arith.constant 0.000000e+00 : f32
        %max3A_191 = vector.broadcast %max3A_190 : f32 to vector<16xf32>
        %max3A_192 = arith.maximumf %add3A_189, %max3A_191 : vector<16xf32>
        %swap3A_193 = arith.index_cast %scan3A_96 : i32 to index
        %swap3A_194 = arith.constant 80 : index
        %swap3A_195 = tpu.vector_load %arg9[%swap3A_193, %swap3A_194] {strides = array<i32>} : memref<80x128xf32, #tpu.memory_space<vmem>>, vector<1x16xf32>,
        %swap3A_196 = vector.shape_cast %swap3A_195 : vector<1x16xf32> to vector<16xf32>
        %swap3A_197 = vector.shape_cast %max3A_192 : vector<16xf32> to vector<1x16xf32>
        tpu.vector_store %arg9[%swap3A_193, %swap3A_194], %swap3A_197 {strides = array<i32>} : memref<80x128xf32, #tpu.memory_space<vmem>>, vector<1x16xf32>,
        %get3A_198 = arith.index_cast %scan3A_96 : i32 to index
        %get3A_199 = arith.constant 96 : index
        %get3A_200 = tpu.vector_load %arg9[%get3A_198, %get3A_199] {strides = array<i32>} : memref<80x128xf32, #tpu.memory_space<vmem>>, vector<1x16xf32>,
        %get3A_201 = vector.shape_cast %get3A_200 : vector<1x16xf32> to vector<16xf32>
        %get3A_202 = arith.index_cast %scan3A_96 : i32 to index
        %get3A_203 = arith.constant 96 : index
        %get3A_204 = tpu.vector_load %arg10[%get3A_202, %get3A_203] {strides = array<i32>} : memref<80x128xf32, #tpu.memory_space<vmem>>, vector<1x16xf32>,
        %get3A_205 = vector.shape_cast %get3A_204 : vector<1x16xf32> to vector<16xf32>
        %add3A_206 = arith.addf %get3A_201, %get3A_205 : vector<16xf32>
        %max3A_207 = arith.constant 0.000000e+00 : f32
        %max3A_208 = vector.broadcast %max3A_207 : f32 to vector<16xf32>
        %max3A_209 = arith.maximumf %add3A_206, %max3A_208 : vector<16xf32>
        %swap3A_210 = arith.index_cast %scan3A_96 : i32 to index
        %swap3A_211 = arith.constant 96 : index
        %swap3A_212 = tpu.vector_load %arg9[%swap3A_210, %swap3A_211] {strides = array<i32>} : memref<80x128xf32, #tpu.memory_space<vmem>>, vector<1x16xf32>,
        %swap3A_213 = vector.shape_cast %swap3A_212 : vector<1x16xf32> to vector<16xf32>
        %swap3A_214 = vector.shape_cast %max3A_209 : vector<16xf32> to vector<1x16xf32>
        tpu.vector_store %arg9[%swap3A_210, %swap3A_211], %swap3A_214 {strides = array<i32>} : memref<80x128xf32, #tpu.memory_space<vmem>>, vector<1x16xf32>,
        %get3A_215 = arith.index_cast %scan3A_96 : i32 to index
        %get3A_216 = arith.constant 112 : index
        %get3A_217 = tpu.vector_load %arg9[%get3A_215, %get3A_216] {strides = array<i32>} : memref<80x128xf32, #tpu.memory_space<vmem>>, vector<1x16xf32>,
        %get3A_218 = vector.shape_cast %get3A_217 : vector<1x16xf32> to vector<16xf32>
        %get3A_219 = arith.index_cast %scan3A_96 : i32 to index
        %get3A_220 = arith.constant 112 : index
        %get3A_221 = tpu.vector_load %arg10[%get3A_219, %get3A_220] {strides = array<i32>} : memref<80x128xf32, #tpu.memory_space<vmem>>, vector<1x16xf32>,
        %get3A_222 = vector.shape_cast %get3A_221 : vector<1x16xf32> to vector<16xf32>
        %add3A_223 = arith.addf %get3A_218, %get3A_222 : vector<16xf32>
        %max3A_224 = arith.constant 0.000000e+00 : f32
        %max3A_225 = vector.broadcast %max3A_224 : f32 to vector<16xf32>
        %max3A_226 = arith.maximumf %add3A_223, %max3A_225 : vector<16xf32>
        %swap3A_227 = arith.index_cast %scan3A_96 : i32 to index
        %swap3A_228 = arith.constant 112 : index
        %swap3A_229 = tpu.vector_load %arg9[%swap3A_227, %swap3A_228] {strides = array<i32>} : memref<80x128xf32, #tpu.memory_space<vmem>>, vector<1x16xf32>,
        %swap3A_230 = vector.shape_cast %swap3A_229 : vector<1x16xf32> to vector<16xf32>
        %swap3A_231 = vector.shape_cast %max3A_226 : vector<16xf32> to vector<1x16xf32>
        tpu.vector_store %arg9[%swap3A_227, %swap3A_228], %swap3A_231 {strides = array<i32>} : memref<80x128xf32, #tpu.memory_space<vmem>>, vector<1x16xf32>,
      }
      %scan3A_95 = arith.constant 80 : i32
      "tpu.region"() ({
        %run_scoped3A = tpu.sem_alloc : memref<!tpu.dma_semaphore, #tpu.memory_space<semaphore_mem>>
        %dma_start3A_96 = arith.constant 0 : i32
        %dma_start3A_97 = arith.constant 0 : i32
        %dma_start3A_98 = tpu.memref_slice %arg11[%dma_start3A_96, %dma_start3A_97] : memref<10000x128xf32, #tpu.memory_space<vmem_shared>> -> memref<10000x128xf32, #tpu.memory_space<vmem_shared>>
        tpu.enqueue_indirect_dma source(%arg9 : memref<80x128xf32, #tpu.memory_space<vmem>>) target(%dma_start3A_98 : memref<10000x128xf32, #tpu.memory_space<vmem_shared>>) offsets(%arg8 : memref<80xi32, #tpu.memory_space<vmem>>) semaphore(%run_scoped3A : memref<!tpu.dma_semaphore, #tpu.memory_space<semaphore_mem>>) {add = true}
        %dma_wait3A_99 = arith.constant 0 : i32
        %dma_wait3A_100 = arith.constant 0 : i32
        %dma_wait3A_101 = tpu.memref_slice %arg11[%dma_wait3A_99, %dma_wait3A_100] : memref<10000x128xf32, #tpu.memory_space<vmem_shared>> -> memref<10000x128xf32, #tpu.memory_space<vmem_shared>>
        tpu.wait_indirect_dma semaphore(%run_scoped3A : memref<!tpu.dma_semaphore, #tpu.memory_space<semaphore_mem>>) src(%arg9 : memref<80x128xf32, #tpu.memory_space<vmem>>) dst(%dma_wait3A_101 : memref<10000x128xf32, #tpu.memory_space<vmem_shared>>)
        tpu.yield
      }) : () -> ()
    }
    %scan3A_13 = arith.constant 125 : i32
    %barrier3A_14 = arith.constant 0 : index
    tpu.barrier barrier_id(%barrier3A_14)
    %mul3A_15 = arith.constant 624 : i32
    %mul3A_16 = arith.muli %arg1, %mul3A_15 : i32
    %mul3A_17 = arith.constant 10000 : i32
    %mul3A_18 = arith.muli %arg0, %mul3A_17 : i32
    %mul3A_19 = arith.constant 624 : i32
    %mul3A_20 = arith.muli %arg1, %mul3A_19 : i32
    %add3A_21 = arith.addi %mul3A_18, %mul3A_20 : i32
    "tpu.region"() ({
      %run_scoped3A = tpu.sem_alloc : memref<!tpu.dma_semaphore, #tpu.memory_space<semaphore_mem>>
      %dma_start3A = arith.constant 0 : i32
      %dma_start3A_27 = tpu.memref_slice %arg6[%add3A_21, %dma_start3A] : memref<20000x128xf32, #tpu.memory_space<hbm>> -> memref<624x128xf32, #tpu.memory_space<hbm>>
      %dma_start3A_28 = arith.constant 0 : i32
      %dma_start3A_29 = tpu.memref_slice %arg11[%mul3A_16, %dma_start3A_28] : memref<10000x128xf32, #tpu.memory_space<vmem_shared>> -> memref<624x128xf32, #tpu.memory_space<vmem_shared>>
      tpu.enqueue_dma source(%dma_start3A_29 : memref<624x128xf32, #tpu.memory_space<vmem_shared>>) target(%dma_start3A_27 : memref<624x128xf32, #tpu.memory_space<hbm>>) target_semaphore(%run_scoped3A : memref<!tpu.dma_semaphore, #tpu.memory_space<semaphore_mem>>)
      %dma_wait3A = arith.constant 0 : i32
      %dma_wait3A_30 = tpu.memref_slice %arg6[%add3A_21, %dma_wait3A] : memref<20000x128xf32, #tpu.memory_space<hbm>> -> memref<624x128xf32, #tpu.memory_space<hbm>>
      %dma_wait3A_31 = arith.constant 0 : i32
      %dma_wait3A_32 = tpu.memref_slice %arg11[%mul3A_16, %dma_wait3A_31] : memref<10000x128xf32, #tpu.memory_space<vmem_shared>> -> memref<624x128xf32, #tpu.memory_space<vmem_shared>>
      tpu.wait_dma2 semaphore(%run_scoped3A : memref<!tpu.dma_semaphore, #tpu.memory_space<semaphore_mem>>) src(%dma_wait3A_32 : memref<624x128xf32, #tpu.memory_space<vmem_shared>>) dst(%dma_wait3A_30 : memref<624x128xf32, #tpu.memory_space<hbm>>)
      tpu.yield
    }) : () -> ()
    %eq3A_22 = arith.constant 0 : i32
    %eq3A_23 = arith.cmpi eq, %arg1, %eq3A_22 : i32
    %convert_element_type3A_24 = arith.extui %eq3A_23 : i1 to i32
    %cond3A_25 = arith.constant 0 : i32
    %cond3A_26 = arith.cmpi ne, %convert_element_type3A_24, %cond3A_25 : i32
    scf.if %cond3A_26 {
      %mul3A_27 = arith.constant 10000 : i32
      %mul3A_28 = arith.muli %arg0, %mul3A_27 : i32
      %add3A_29 = arith.constant 9984 : i32
      %add3A_30 = arith.addi %mul3A_28, %add3A_29 : i32
      "tpu.region"() ({
        %run_scoped3A = tpu.sem_alloc : memref<!tpu.dma_semaphore, #tpu.memory_space<semaphore_mem>>
        %dma_start3A = arith.constant 0 : i32
        %dma_start3A_31 = tpu.memref_slice %arg6[%add3A_30, %dma_start3A] : memref<20000x128xf32, #tpu.memory_space<hbm>> -> memref<16x128xf32, #tpu.memory_space<hbm>>
        %dma_start3A_32 = arith.constant 9984 : i32
        %dma_start3A_33 = arith.constant 0 : i32
        %dma_start3A_34 = tpu.memref_slice %arg11[%dma_start3A_32, %dma_start3A_33] : memref<10000x128xf32, #tpu.memory_space<vmem_shared>> -> memref<16x128xf32, #tpu.memory_space<vmem_shared>>
        tpu.enqueue_dma source(%dma_start3A_34 : memref<16x128xf32, #tpu.memory_space<vmem_shared>>) target(%dma_start3A_31 : memref<16x128xf32, #tpu.memory_space<hbm>>) target_semaphore(%run_scoped3A : memref<!tpu.dma_semaphore, #tpu.memory_space<semaphore_mem>>)
        %dma_wait3A = arith.constant 0 : i32
        %dma_wait3A_35 = tpu.memref_slice %arg6[%add3A_30, %dma_wait3A] : memref<20000x128xf32, #tpu.memory_space<hbm>> -> memref<16x128xf32, #tpu.memory_space<hbm>>
        %dma_wait3A_36 = arith.constant 9984 : i32
        %dma_wait3A_37 = arith.constant 0 : i32
        %dma_wait3A_38 = tpu.memref_slice %arg11[%dma_wait3A_36, %dma_wait3A_37] : memref<10000x128xf32, #tpu.memory_space<vmem_shared>> -> memref<16x128xf32, #tpu.memory_space<vmem_shared>>
        tpu.wait_dma2 semaphore(%run_scoped3A : memref<!tpu.dma_semaphore, #tpu.memory_space<semaphore_mem>>) src(%dma_wait3A_38 : memref<16x128xf32, #tpu.memory_space<vmem_shared>>) dst(%dma_wait3A_35 : memref<16x128xf32, #tpu.memory_space<hbm>>)
        tpu.yield
      }) : () -> ()
    } else {
    }
    return
  }
}

module attributes {stable_mosaic.version = 14 : i64} {
  func.func @_tc1_body(%arg0: i32, %arg1: memref<400x128xf32, #tpu.memory_space<vmem>>, %arg2: memref<400x128xf32, #tpu.memory_space<vmem>>, %arg3: memref<128x256xf32, #tpu.memory_space<vmem>>, %arg4: memref<128x256xf32, #tpu.memory_space<vmem>>, %arg5: memref<1x256xf32, #tpu.memory_space<vmem>>, %arg6: memref<400x256xf32, #tpu.memory_space<vmem>>, %arg7: memref<2x256xf32, #tpu.memory_space<vmem>>, %arg8: memref<2x256xf32, #tpu.memory_space<vmem>>) attributes {dimension_semantics = [#tpu.dimension_semantics<arbitrary>], iteration_bounds = array<i64: 25>, scalar_prefetch = 0 : i64, scratch_operands = 1 : i64, tpu.core_type = #tpu.core_type<tc>, window_params = [{transform_indices = @transform_0, window_bounds = array<i64: 400, 128>}, {transform_indices = @transform_1, window_bounds = array<i64: 400, 128>}, {pipeline_mode = #tpu.pipeline_mode<synchronous>, transform_indices = @transform_2, window_bounds = array<i64: 128, 256>}, {pipeline_mode = #tpu.pipeline_mode<synchronous>, transform_indices = @transform_3, window_bounds = array<i64: 128, 256>}, {pipeline_mode = #tpu.pipeline_mode<synchronous>, transform_indices = @transform_4, window_bounds = array<i64: 1, 256>}, {transform_indices = @transform_5, window_bounds = array<i64: 400, 256>}, {pipeline_mode = #tpu.pipeline_mode<synchronous>, transform_indices = @transform_6, window_bounds = array<i64: 2, 256>}]} {
    %get3A = arith.constant 0 : index
    %get3A_0 = arith.constant 0 : index
    %get3A_1 = vector.load %arg1[%get3A, %get3A_0] : memref<400x128xf32, #tpu.memory_space<vmem>>, vector<400x128xf32>
    %get3A_2 = arith.constant 0 : index
    %get3A_3 = arith.constant 0 : index
    %get3A_4 = vector.load %arg3[%get3A_2, %get3A_3] : memref<128x256xf32, #tpu.memory_space<vmem>>, vector<128x256xf32>
    %dot_general3A = arith.constant dense<0.000000e+00> : vector<400x256xf32>
    %dot_general3A_5 = tpu.matmul %get3A_1, %get3A_4, %dot_general3A {dimension_numbers = #tpu.dot_dimension_numbers<[1], [0], [0], [1], [0, 0, 1, 1], [], []>, transpose_lhs_hint = false} : vector<400x128xf32>, vector<128x256xf32>, vector<400x256xf32> -> vector<400x256xf32>
    %get3A_6 = arith.constant 0 : index
    %get3A_7 = arith.constant 0 : index
    %get3A_8 = vector.load %arg2[%get3A_6, %get3A_7] : memref<400x128xf32, #tpu.memory_space<vmem>>, vector<400x128xf32>
    %get3A_9 = arith.constant 0 : index
    %get3A_10 = arith.constant 0 : index
    %get3A_11 = vector.load %arg4[%get3A_9, %get3A_10] : memref<128x256xf32, #tpu.memory_space<vmem>>, vector<128x256xf32>
    %dot_general3A_12 = arith.constant dense<0.000000e+00> : vector<400x256xf32>
    %dot_general3A_13 = tpu.matmul %get3A_8, %get3A_11, %dot_general3A_12 {dimension_numbers = #tpu.dot_dimension_numbers<[1], [0], [0], [1], [0, 0, 1, 1], [], []>, transpose_lhs_hint = false} : vector<400x128xf32>, vector<128x256xf32>, vector<400x256xf32> -> vector<400x256xf32>
    %add3A = arith.addf %dot_general3A_5, %dot_general3A_13 : vector<400x256xf32>
    %get3A_14 = arith.constant 0 : index
    %get3A_15 = arith.constant 0 : index
    %get3A_16 = vector.load %arg5[%get3A_14, %get3A_15] : memref<1x256xf32, #tpu.memory_space<vmem>>, vector<1x256xf32>
    %add3A_17 = vector.broadcast %get3A_16 : vector<1x256xf32> to vector<400x256xf32>
    %add3A_18 = arith.addf %add3A, %add3A_17 : vector<400x256xf32>
    %gt3A = arith.constant 0.000000e+00 : f32
    %gt3A_19 = vector.broadcast %gt3A : f32 to vector<400x256xf32>
    %gt3A_20 = arith.cmpf ogt, %add3A_18, %gt3A_19 : vector<400x256xf32>
    %mul3A = arith.constant 0.00999999977 : f32
    %mul3A_21 = vector.broadcast %mul3A : f32 to vector<400x256xf32>
    %mul3A_22 = arith.mulf %mul3A_21, %add3A_18 : vector<400x256xf32>
    %select_n3A = arith.select %gt3A_20, %add3A_18, %mul3A_22 : vector<400x256xi1>, vector<400x256xf32>
    %swap3A = arith.constant 0 : index
    %swap3A_23 = arith.constant 0 : index
    %swap3A_24 = vector.load %arg6[%swap3A, %swap3A_23] : memref<400x256xf32, #tpu.memory_space<vmem>>, vector<400x256xf32>
    tpu.vector_store %arg6[%swap3A, %swap3A_23], %select_n3A {strides = array<i32>} : memref<400x256xf32, #tpu.memory_space<vmem>>, vector<400x256xf32>,
    %eq3A = arith.constant 0 : i32
    %eq3A_25 = arith.cmpi eq, %arg0, %eq3A : i32
    %convert_element_type3A = arith.extui %eq3A_25 : i1 to i32
    %cond3A = arith.constant 0 : i32
    %cond3A_26 = arith.cmpi ne, %convert_element_type3A, %cond3A : i32
    scf.if %cond3A_26 {
      %broadcast_in_dim3A_51 = arith.constant 0.000000e+00 : f32
      %broadcast_in_dim3A_52 = vector.broadcast %broadcast_in_dim3A_51 : f32 to vector<2x256xf32>
      %swap3A_53 = arith.constant 0 : index
      %swap3A_54 = arith.constant 0 : index
      %swap3A_55 = vector.load %arg8[%swap3A_53, %swap3A_54] : memref<2x256xf32, #tpu.memory_space<vmem>>, vector<2x256xf32>
      tpu.vector_store %arg8[%swap3A_53, %swap3A_54], %broadcast_in_dim3A_52 {strides = array<i32>} : memref<2x256xf32, #tpu.memory_space<vmem>>, vector<2x256xf32>,
    } else {
    }
    %get3A_27 = arith.constant 0 : index
    %get3A_28 = arith.constant 0 : index
    %get3A_29 = vector.load %arg8[%get3A_27, %get3A_28] : memref<2x256xf32, #tpu.memory_space<vmem>>, vector<1x256xf32>
    %reduce_sum3A = arith.constant dense<0.000000e+00> : vector<256xf32>
    %reduce_sum3A_30 = vector.multi_reduction <add>, %select_n3A, %reduce_sum3A [0] : vector<400x256xf32> to vector<256xf32>
    %broadcast_in_dim3A = vector.shape_cast %reduce_sum3A_30 : vector<256xf32> to vector<1x256xf32>
    %add3A_31 = arith.addf %get3A_29, %broadcast_in_dim3A : vector<1x256xf32>
    %swap3A_32 = arith.constant 0 : index
    %swap3A_33 = arith.constant 0 : index
    %swap3A_34 = vector.load %arg8[%swap3A_32, %swap3A_33] : memref<2x256xf32, #tpu.memory_space<vmem>>, vector<1x256xf32>
    tpu.vector_store %arg8[%swap3A_32, %swap3A_33], %add3A_31 {strides = array<i32>} : memref<2x256xf32, #tpu.memory_space<vmem>>, vector<1x256xf32>,
    %get3A_35 = arith.constant 1 : index
    %get3A_36 = arith.constant 0 : index
    %get3A_37 = vector.load %arg8[%get3A_35, %get3A_36] : memref<2x256xf32, #tpu.memory_space<vmem>>, vector<1x256xf32>
    %mul3A_38 = arith.mulf %select_n3A, %select_n3A : vector<400x256xf32>
    %reduce_sum3A_39 = arith.constant dense<0.000000e+00> : vector<256xf32>
    %reduce_sum3A_40 = vector.multi_reduction <add>, %mul3A_38, %reduce_sum3A_39 [0] : vector<400x256xf32> to vector<256xf32>
    %broadcast_in_dim3A_41 = vector.shape_cast %reduce_sum3A_40 : vector<256xf32> to vector<1x256xf32>
    %add3A_42 = arith.addf %get3A_37, %broadcast_in_dim3A_41 : vector<1x256xf32>
    %swap3A_43 = arith.constant 1 : index
    %swap3A_44 = arith.constant 0 : index
    %swap3A_45 = vector.load %arg8[%swap3A_43, %swap3A_44] : memref<2x256xf32, #tpu.memory_space<vmem>>, vector<1x256xf32>
    tpu.vector_store %arg8[%swap3A_43, %swap3A_44], %add3A_42 {strides = array<i32>} : memref<2x256xf32, #tpu.memory_space<vmem>>, vector<1x256xf32>,
    %eq3A_46 = arith.constant 24 : i32
    %eq3A_47 = arith.cmpi eq, %arg0, %eq3A_46 : i32
    %convert_element_type3A_48 = arith.extui %eq3A_47 : i1 to i32
    %cond3A_49 = arith.constant 0 : i32
    %cond3A_50 = arith.cmpi ne, %convert_element_type3A_48, %cond3A_49 : i32
    scf.if %cond3A_50 {
      %get3A_51 = arith.constant 0 : index
      %get3A_52 = arith.constant 0 : index
      %get3A_53 = vector.load %arg8[%get3A_51, %get3A_52] : memref<2x256xf32, #tpu.memory_space<vmem>>, vector<2x256xf32>
      %swap3A_54 = arith.constant 0 : index
      %swap3A_55 = arith.constant 0 : index
      %swap3A_56 = vector.load %arg7[%swap3A_54, %swap3A_55] : memref<2x256xf32, #tpu.memory_space<vmem>>, vector<2x256xf32>
      tpu.vector_store %arg7[%swap3A_54, %swap3A_55], %get3A_53 {strides = array<i32>} : memref<2x256xf32, #tpu.memory_space<vmem>>, vector<2x256xf32>,
    } else {
    }
    return
  }
  func.func @transform_0(%arg0: i32) -> (i32, i32) {
    %c0_i32 = arith.constant 0 : i32
    %c0_i32_0 = arith.constant 0 : i32
    return %arg0, %c0_i32 : i32, i32
  }
  func.func @transform_1(%arg0: i32) -> (i32, i32) {
    %c0_i32 = arith.constant 0 : i32
    %c0_i32_0 = arith.constant 0 : i32
    return %arg0, %c0_i32 : i32, i32
  }
  func.func @transform_2(%arg0: i32) -> (i32, i32) {
    %c0_i32 = arith.constant 0 : i32
    %c0_i32_0 = arith.constant 0 : i32
    %c0_i32_1 = arith.constant 0 : i32
    return %c0_i32, %c0_i32_0 : i32, i32
  }
  func.func @transform_3(%arg0: i32) -> (i32, i32) {
    %c0_i32 = arith.constant 0 : i32
    %c0_i32_0 = arith.constant 0 : i32
    %c0_i32_1 = arith.constant 0 : i32
    return %c0_i32, %c0_i32_0 : i32, i32
  }
  func.func @transform_4(%arg0: i32) -> (i32, i32) {
    %c0_i32 = arith.constant 0 : i32
    %c0_i32_0 = arith.constant 0 : i32
    %c0_i32_1 = arith.constant 0 : i32
    return %c0_i32, %c0_i32_0 : i32, i32
  }
  func.func @transform_5(%arg0: i32) -> (i32, i32) {
    %c0_i32 = arith.constant 0 : i32
    %c0_i32_0 = arith.constant 0 : i32
    return %arg0, %c0_i32 : i32, i32
  }
  func.func @transform_6(%arg0: i32) -> (i32, i32) {
    %c0_i32 = arith.constant 0 : i32
    %c0_i32_0 = arith.constant 0 : i32
    %c0_i32_1 = arith.constant 0 : i32
    return %c0_i32, %c0_i32_0 : i32, i32
  }
}

module attributes {stable_mosaic.version = 14 : i64} {
  func.func @_tc2_body(%arg0: i32, %arg1: memref<400x256xf32, #tpu.memory_space<vmem>>, %arg2: memref<2x256xf32, #tpu.memory_space<vmem>>, %arg3: memref<1x256xf32, #tpu.memory_space<vmem>>, %arg4: memref<1x256xf32, #tpu.memory_space<vmem>>, %arg5: memref<400x256xf32, #tpu.memory_space<vmem>>) attributes {dimension_semantics = [#tpu.dimension_semantics<arbitrary>], iteration_bounds = array<i64: 25>, scalar_prefetch = 0 : i64, scratch_operands = 0 : i64, tpu.core_type = #tpu.core_type<tc>, window_params = [{transform_indices = @transform_0, window_bounds = array<i64: 400, 256>}, {pipeline_mode = #tpu.pipeline_mode<synchronous>, transform_indices = @transform_1, window_bounds = array<i64: 2, 256>}, {pipeline_mode = #tpu.pipeline_mode<synchronous>, transform_indices = @transform_2, window_bounds = array<i64: 1, 256>}, {pipeline_mode = #tpu.pipeline_mode<synchronous>, transform_indices = @transform_3, window_bounds = array<i64: 1, 256>}, {transform_indices = @transform_4, window_bounds = array<i64: 400, 256>}]} {
    %get3A = arith.constant 0 : index
    %get3A_0 = arith.constant 0 : index
    %get3A_1 = vector.load %arg2[%get3A, %get3A_0] : memref<2x256xf32, #tpu.memory_space<vmem>>, vector<1x256xf32>
    %mul3A = arith.constant 9.99999974E-5 : f32
    %mul3A_2 = vector.broadcast %mul3A : f32 to vector<1x256xf32>
    %mul3A_3 = arith.mulf %get3A_1, %mul3A_2 : vector<1x256xf32>
    %get3A_4 = arith.constant 1 : index
    %get3A_5 = arith.constant 0 : index
    %get3A_6 = vector.load %arg2[%get3A_4, %get3A_5] : memref<2x256xf32, #tpu.memory_space<vmem>>, vector<1x256xf32>
    %mul3A_7 = arith.constant 9.99999974E-5 : f32
    %mul3A_8 = vector.broadcast %mul3A_7 : f32 to vector<1x256xf32>
    %mul3A_9 = arith.mulf %get3A_6, %mul3A_8 : vector<1x256xf32>
    %mul3A_10 = arith.mulf %mul3A_3, %mul3A_3 : vector<1x256xf32>
    %sub3A = arith.subf %mul3A_9, %mul3A_10 : vector<1x256xf32>
    %add3A = arith.constant 9.99999974E-6 : f32
    %add3A_11 = vector.broadcast %add3A : f32 to vector<1x256xf32>
    %add3A_12 = arith.addf %sub3A, %add3A_11 : vector<1x256xf32>
    %rsqrt3A = math.rsqrt %add3A_12 : vector<1x256xf32>
    %get3A_13 = arith.constant 0 : index
    %get3A_14 = arith.constant 0 : index
    %get3A_15 = vector.load %arg1[%get3A_13, %get3A_14] : memref<400x256xf32, #tpu.memory_space<vmem>>, vector<400x256xf32>
    %sub3A_16 = vector.broadcast %mul3A_3 : vector<1x256xf32> to vector<400x256xf32>
    %sub3A_17 = arith.subf %get3A_15, %sub3A_16 : vector<400x256xf32>
    %get3A_18 = arith.constant 0 : index
    %get3A_19 = arith.constant 0 : index
    %get3A_20 = vector.load %arg3[%get3A_18, %get3A_19] : memref<1x256xf32, #tpu.memory_space<vmem>>, vector<1x256xf32>
    %mul3A_21 = arith.mulf %rsqrt3A, %get3A_20 : vector<1x256xf32>
    %mul3A_22 = vector.broadcast %mul3A_21 : vector<1x256xf32> to vector<400x256xf32>
    %mul3A_23 = arith.mulf %sub3A_17, %mul3A_22 : vector<400x256xf32>
    %get3A_24 = arith.constant 0 : index
    %get3A_25 = arith.constant 0 : index
    %get3A_26 = vector.load %arg4[%get3A_24, %get3A_25] : memref<1x256xf32, #tpu.memory_space<vmem>>, vector<1x256xf32>
    %add3A_27 = vector.broadcast %get3A_26 : vector<1x256xf32> to vector<400x256xf32>
    %add3A_28 = arith.addf %mul3A_23, %add3A_27 : vector<400x256xf32>
    %swap3A = arith.constant 0 : index
    %swap3A_29 = arith.constant 0 : index
    %swap3A_30 = vector.load %arg5[%swap3A, %swap3A_29] : memref<400x256xf32, #tpu.memory_space<vmem>>, vector<400x256xf32>
    tpu.vector_store %arg5[%swap3A, %swap3A_29], %add3A_28 {strides = array<i32>} : memref<400x256xf32, #tpu.memory_space<vmem>>, vector<400x256xf32>,
    return
  }
  func.func @transform_0(%arg0: i32) -> (i32, i32) {
    %c0_i32 = arith.constant 0 : i32
    %c0_i32_0 = arith.constant 0 : i32
    return %arg0, %c0_i32 : i32, i32
  }
  func.func @transform_1(%arg0: i32) -> (i32, i32) {
    %c0_i32 = arith.constant 0 : i32
    %c0_i32_0 = arith.constant 0 : i32
    %c0_i32_1 = arith.constant 0 : i32
    return %c0_i32, %c0_i32_0 : i32, i32
  }
  func.func @transform_2(%arg0: i32) -> (i32, i32) {
    %c0_i32 = arith.constant 0 : i32
    %c0_i32_0 = arith.constant 0 : i32
    %c0_i32_1 = arith.constant 0 : i32
    return %c0_i32, %c0_i32_0 : i32, i32
  }
  func.func @transform_3(%arg0: i32) -> (i32, i32) {
    %c0_i32 = arith.constant 0 : i32
    %c0_i32_0 = arith.constant 0 : i32
    %c0_i32_1 = arith.constant 0 : i32
    return %c0_i32, %c0_i32_0 : i32, i32
  }
  func.func @transform_4(%arg0: i32) -> (i32, i32) {
    %c0_i32 = arith.constant 0 : i32
    %c0_i32_0 = arith.constant 0 : i32
    return %arg0, %c0_i32 : i32, i32
  }
}

</mosaic_0001>

<sc_bundles>
// kernel: kernel.5.cloned.1.call-start
scs
__scs_entry_jumppad:
0x0: {  	(pc) =	sbr.rel $0x88, $3  }
0x1: {  	(tag) =	ssettag $0x0;
	lr =	simm.s32 $0x1  }
0x2: {  	[smem:$0x3F9A] =	sst lr;
	_ =	strace $0xD0000000  }
0x3: {  	_ = 	snop  }
0x4: {  	_ = 	snop  }
0x5: {  	_ = 	snop  }
0x6: {  	_ = 	snop  }
0x7: {  	_ = 	snop  }
__scs_overlays_trampoline_lowered:
0x8: {  	[smem:$0x3FA9] =	sst s0  }
0x9: {  	[smem:$0x3FAA] =	sst s1  }
0xa: {  	[smem:$0x3FAB] =	sst s2  }
0xb: {  	[smem:$0x3FAC] =	sst s3  }
0xc: {  	[smem:$0x3FAD] =	sst s4  }
0xd: {  	[smem:$0x3FAE] =	sst s5  }
0xe: {  	[smem:$0x3FAF] =	sst s6  }
0xf: {  	[smem:$0x3FB0] =	sst s7  }
0x10: {  	[smem:$0x3FB1] =	sst s8  }
0x11: {  	[smem:$0x3FB2] =	sst s9;
	s0 =	simm.s32 @!p0 $0x0  }
0x12: {  	s1 =	sld [smem:$0x3F98];
	s0 =	simm.s32 @p0 $0x1  }
0x13: {  	[smem:$0x3FB3] =	sst s0;
	s0 =	simm.s32 @!p1 $0x0  }
0x14: {  	s2 =	sld [smem:$0x3F97];
	s0 =	simm.s32 @p1 $0x1  }
0x15: {  	[smem:$0x3FB4] =	sst s0;
	s0 =	simm.s32 @!p2 $0x0  }
0x16: {  	s3 =	sld [smem:$0x3FDB];
	s0 =	simm.s32 @p2 $0x1  }
0x17: {  	s4 =	simm.s32 $0x1BF5;
	[smem:$0x3FB6] =	sst s0  }
0x18: {  	s0 =	sld [smem:$0x3F99];
	_ =	swait.ge [sflag:s4], $0x0  }
0x19: {  	s7 =	sld [smem:$0x3F9A]  }
0x1a: {  	s8 =	sadd.s32 $0xFFFFE003, lr  }
0x1b: {  	s9 =	sadd.s32 $0xFFFFFEF7, lr;
	s5 =	simm.s32 $0xFFFFFFFF;
	p2 =	slt.u32 s8, $0xFFFFF086  }
0x1c: {  	p1 =	slt.u32 s9, $0xF7A;
	s5 =	simm.s32 @!p2 $0x0  }
0x1d: {  	s5 =	simm.s32 @p1 $0x1;
	p0 =	seq.s32 s7, s2  }
0x1e: {  	s7 =	smul.u32 @!p0 $0xF7A, s2;
	p2 =	seq.s32 @!p0 s5, $0x0  }
0x1f: {  	s9 =	smul.u32 $0xF7A, s1;
	s8 =	simm.s32 @!p0 $0x1BF5;
	p2 =	por !p2, p0  }
0x20: {  	[sflag:s8] =	ssyncset.s32 @!p0 $0xFFFFF086;
	s6 =	sadd.s32 @!p0 s3, s7;
	s7 =	simm.s32 @!p0 $0x108  }
0x21: {  	s3 =	sadd.s32 s3, s9;
	s6 =	sadd.s32 @!p0 $0x88, s6;
	s7 =	simm.s32 @p2 $0x1082  }
0x22: {  	[simem:s7], [sflag:s8] =	dma.local @!p0 [hbm:s6], $0xF7A  }
0x23: {  	s9 =	sor.u32 $0xD0000000, s2;
	s6 =	simm.s32 $0x108;
	_ =	swait.ge @!p0 [sflag:s8], $0x0  }
0x24: {  	s3 =	sadd.s32 $0x88, s3;
	s6 =	simm.s32 @!p1 $0x1082;
	[sflag:s4] =	ssyncset.s32 $0xFFFFF086  }
0x25: {  	[simem:s6], [sflag:s4] =	dma.local [hbm:s3], $0xF7A  }
0x26: {  	[smem:$0x3F9A] =	sst s1;
	(tag) =	ssettag s2;
	_ =	strace s9  }
0x27: {  	s1 =	sld [smem:$0x3FAA]  }
0x28: {  	s2 =	sld [smem:$0x3FAB]  }
0x29: {  	s4 =	sld [smem:$0x3FAD]  }
0x2a: {  	p0 =	seq.s32 s5, $0x0;
	s5 =	sld [smem:$0x3FAE]  }
0x2b: {  	s6 =	sld [smem:$0x3FAF]  }
0x2c: {  	s7 =	sld [smem:$0x3FB0]  }
0x2d: {  	s3 =	simm.s32 $0x108;
	s8 =	sld [smem:$0x3FB1]  }
0x2e: {  	s3 =	simm.s32 @!p0 $0x1082;
	s9 =	sld [smem:$0x3FB2]  }
0x2f: {  	lr =	sadd.s32 s0, s3;
	s0 =	sld [smem:$0x3FA9]  }
0x30: {  	s3 =	sld [smem:$0x3FAC]  }
0x31: {  	[smem:$0x3FB5] =	sst s10  }
0x32: {  	s10 =	sld [smem:$0x3FB3];
	_ =	sdelay $0x3  }
0x33: {  	p0 =	seq.s32 s10, $0x1;
	s10 =	sld [smem:$0x3FB5];
	_ =	sdelay $0x3  }
0x34: {  	[smem:$0x3FB5] =	sst s10  }
0x35: {  	s10 =	sld [smem:$0x3FB4];
	_ =	sdelay $0x3  }
0x36: {  	p1 =	seq.s32 s10, $0x1;
	s10 =	sld [smem:$0x3FB5];
	_ =	sdelay $0x3  }
0x37: {  	[smem:$0x3FB5] =	sst s10  }
0x38: {  	s10 =	sld [smem:$0x3FB6]  }
0x39: {  	_ = 	snop;
	(pc) =	sbr.ind lr, $3  }
0x3a: {  	_ = 	snop  }
0x3b: {  	_ = 	snop  }
0x3c: {  	p2 =	seq.s32 s10, $0x1;
	s10 =	sld [smem:$0x3FB5]  }
0x3d: {  	_ =	shalt  }
0x3e: {  	_ =	shalt  }
0x3f: {  	_ =	shalt  }
0x40: {  	_ =	shalt  }
0x41: {  	_ =	shalt  }
0x42: {  	_ =	shalt  }
0x43: {  	_ =	shalt  }
0x44: {  	_ =	shalt  }
0x45: {  	_ =	shalt  }
0x46: {  	_ =	shalt  }
0x47: {  	_ =	shalt  }
0x48: {  	_ =	shalt  }
0x49: {  	_ =	shalt  }
0x4a: {  	_ =	shalt  }
0x4b: {  	_ =	shalt  }
0x4c: {  	_ =	shalt  }
0x4d: {  	_ =	shalt  }
0x4e: {  	_ =	shalt  }
0x4f: {  	_ =	shalt  }
0x50: {  	_ =	shalt  }
0x51: {  	_ =	shalt  }
0x52: {  	_ =	shalt  }
0x53: {  	_ =	shalt  }
0x54: {  	_ =	shalt  }
0x55: {  	_ =	shalt  }
0x56: {  	_ =	shalt  }
0x57: {  	_ =	shalt  }
0x58: {  	_ =	shalt  }
0x59: {  	_ =	shalt  }
0x5a: {  	_ =	shalt  }
0x5b: {  	_ =	shalt  }
0x5c: {  	_ =	shalt  }
0x5d: {  	_ =	shalt  }
0x5e: {  	_ =	shalt  }
0x5f: {  	_ =	shalt  }
0x60: {  	_ =	shalt  }
0x61: {  	_ =	shalt  }
0x62: {  	_ =	shalt  }
0x63: {  	_ =	shalt  }
0x64: {  	_ =	shalt  }
0x65: {  	_ =	shalt  }
0x66: {  	_ =	shalt  }
0x67: {  	_ =	shalt  }
0x68: {  	_ =	shalt  }
0x69: {  	_ =	shalt  }
0x6a: {  	_ =	shalt  }
0x6b: {  	_ =	shalt  }
0x6c: {  	_ =	shalt  }
0x6d: {  	_ =	shalt  }
0x6e: {  	_ =	shalt  }
0x6f: {  	_ =	shalt  }
0x70: {  	_ =	shalt  }
0x71: {  	_ =	shalt  }
0x72: {  	_ =	shalt  }
0x73: {  	_ =	shalt  }
0x74: {  	_ =	shalt  }
0x75: {  	_ =	shalt  }
0x76: {  	_ =	shalt  }
0x77: {  	_ =	shalt  }
0x78: {  	_ =	shalt  }
0x79: {  	_ =	shalt  }
0x7a: {  	_ =	shalt  }
0x7b: {  	_ =	shalt  }
0x7c: {  	_ =	shalt  }
0x7d: {  	_ =	shalt  }
0x7e: {  	_ =	shalt  }
0x7f: {  	_ =	shalt  }
0x80: {  	_ =	shalt  }
0x81: {  	_ =	shalt  }
0x82: {  	_ =	shalt  }
0x83: {  	_ =	shalt  }
0x84: {  	_ =	shalt  }
0x85: {  	_ =	shalt  }
0x86: {  	_ =	shalt  }
0x87: {  	_ =	shalt  }
.Lfunc_end0:
.L_simem_size_0:
called_computation_lowered:
.L_overlay_start_0:
0x88: {  	s2 =	sld [smem:$0x3FD9]  }
0x89: {  	s3 =	sld [smem:$0x3FFE];
	_ =	sdelay $0x1  }
0x8a: {  	s1 =	srdreg.scid  }
0x8b: {  	s0 =	sand.u32 $0x1, s1  }
0x8c: {  	s17 =	sshll.u32 s0, $0xA;
	s2 =	sadd.s32 s3, s2  }
0x8d: {  	s2 =	sadd.s32 s2, s17  }
0x8e: {  	[smem:$0x3FC1] =	sst s2  }
0x8f: {  	_ = 	snop  }
0x90: {  	s2 =	sld [smem:$0x3FC7]  }
0x91: {  	s18 =	sld [smem:$0x3FD0];
	(tm) =	ssettm $0x1  }
0x92: {  	s4 =	sld [smem:$0x3FFB];
	_ =	sdelay $0x3  }
0x93: {  	_ =	strace s4  }
0x94: {  	s4 =	sld [smem:$0x3FFC];
	_ =	sdelay $0x3  }
0x95: {  	_ =	strace s4  }
0x96: {  	s4 =	sld [smem:$0x3FFD];
	_ =	sdelay $0x3  }
0x97: {  	_ =	strace s4  }
0x98: {  	_ =	strace $0x8FFFFFFF  }
0x99: {  	s19 =	sld [smem:$0x3FDB];
	_ =	sdelay $0x1  }
0x9a: {  	s5 =	simm.s32 $_scs_section_size  }
0x9b: {  	s6 =	simm.s32 $_size__tile_overlayer_lowered;
	s7 =	simm.s32 $_tile_overlayer_lowered  }
0x9c: {  	s22 =	simm.s32 $0x1BFF;
	s21 =	sshll.u32 s7, $0x1;
	s4 =	sadd.s32 s5, s19  }
0x9d: {  	s8 =	simm.s32 $0x0;
	s20 =	sshll.u32 s6, $0x1;
	s6 =	sadd.s32 s21, s4  }
0x9e: {  	[timem:s8], [sflag:s22] =	dma.local [hbm:s6], s20  }
0x9f: {  	_ =	swait.ge [sflag:s22], s20  }
0xa0: {  	s5 =	ssub.s32 $0x0, s20;
	[sflag:s22] =	ssyncset.done $0x0  }
0xa1: {  	[sflag:s22] =	ssyncadd.s32 s5;
	_ =	sdelay $0x1  }
0xa2: {  	s23 =	simm.s32 $0x1B8B  }
0xa3: {  	_ =	swait.ge [sflag:s23], $0x1  }
0xa4: {  	[sflag:s23] =	ssyncset.done $0x0  }
0xa5: {  	s25 =	simm.s32 $0x1B8E;
	s24 =	sld [smem:$0x3FFE];
	[sflag:s23] =	ssyncadd.s32 $0xFFFFFFFF  }
0xa6: {  	s26 =	simm.s32 $execute0_lowered;
	[smem:$0x3FD2] =	sst s25  }
0xa7: {  	s6 =	sshll.u32 s26, $0x1;
	_ =	strace $0x80000046;
	[dreg:$0x1] =	wrdreg $0xFFFFFFFF  }
0xa8: {  	s28 =	simm.s32 $_size_execute0_lowered;
	s4 =	sadd.s32 s4, s6;
	[dreg:$0x0] =	wrdreg $0x0  }
0xa9: {  	s6 =	sshll.u32 s28, $0x1;
	[dreg:$0x2] =	wrdreg s4  }
0xaa: {  	[dreg:$0x3] =	wrdreg s6  }
0xab: {  	[dreg:$0x4] =	wrdreg $0xC0  }
0xac: {  	_ =	task [dreg:s8], $0x5FFFF  }
0xad: {  	[dreg:$0x1] =	wrdreg $0xFFFFFFFF  }
0xae: {  	[dreg:$0x0] =	wrdreg $0x60  }
0xaf: {  	[dreg:$0x2] =	wrdreg s18  }
0xb0: {  	[dreg:$0x3] =	wrdreg s24  }
0xb1: {  	[dreg:$0x4] =	wrdreg s2  }
0xb2: {  	[dreg:$0x5] =	wrdreg $0x51000  }
0xb3: {  	[dreg:$0x6] =	wrdreg $0x9  }
0xb4: {  	_ =	task.clear_ibuf [dreg:s8], $0x7FFFF;
	_ =	strace $0x90000046  }
0xb5: {  	s29 =	simm.s32 $0x9;
	_ =	strace $0x80000048  }
0xb6: {  	_ =	swait.ge [sflag:s29], $0x1  }
0xb7: {  	[sflag:s29] =	ssyncadd.s32 $0xFFFFFFFF  }
0xb8: {  	_ =	strace $0x90000048  }
0xb9: {  	_ =	sfence  }
0xba: {  	s30 =	sld [smem:$0x0];
	_ =	sdelay $0x2  }
0xbb: {  	s31 =	sshll.u32 s1, $0xD;
	s1 =	sshrl.u32 s1, $0x2  }
0xbc: {  	s3 =	sand.u32 $0x4000, s31;
	s1 =	sadd.s32 s1, s30  }
0xbd: {  	s0 =	sor.u32 s3, s0;
	s1 =	sshll.u32 s1, $0x11  }
0xbe: {  	s0 =	sor.u32 s1, s0  }
0xbf: {  	s0 =	sadd.s32 $0x8F2B, s0  }
0xc0: {  	[sflag:s0] =	ssyncadd.remote.s32 $0x1  }
0xc1: {  	_ =	sfence.sel $0xFFFF  }
0xc2: {  	[dreg:$0x0] =	wrdreg $0xFFFFFFFF;
	(pc) =	sbr.abs _section_cstart, $3  }
0xc3: {  	[dreg:$0x1] =	wrdreg $0xFFFFFFFF  }
0xc4: {  	_ =	task.clear_ibuf [dreg:s8], $0x2FFFF;
	_ =	strace $0x9FFFFFFF  }
0xc5: {  	(tm) =	ssettm $0x7FFFFFFF  }
tec
execute0_lowered:
.L_overlay_start_1:
0x0: {  	(tag) =	ssettag $0x1  }
0x1: {  	s1 =	rddreg [dreg:$0x0]  }
0x2: {  	s6 =	rddreg [dreg:$0x1]  }
0x3: {  	s10 =	rddreg [dreg:$0x2]  }
0x4: {  	s2 =	rddreg [dreg:$0x3]  }
0x5: {  	s0 =	rddreg [dreg:$0x4]  }
0x6: {  	s3 =	simm.s32 $0x0;
	s4 =	srdreg.scid;
	s14 =	stileid.u32  }
0x7: {  	s19 =	simm.s32 $0x100;
	s20 =	simm.s32 $0x1;
	s22 =	simm.s32 $0x800  }
0x8: {  	s23 =	simm.s32 $0x2900;
	s29 =	simm.s32 $0x0;
	[smem:$0x7FF] =	sst s3  }
0x9: {  	s11 =	sand.u32 $0x1, s4;
	s7 =	smul.u32 $0x4E000, s14;
	s4 =	sadd.s32 $0x5C00, s6  }
0xa: {  	s9 =	smul.u32 $0x270, s14;
	s5 =	sadd.s32 $0xC00, s6;
	s12 =	sadd.s32 $0xAC00, s6  }
0xb: {  	s30 =	sshll.u32 s14, $0x6;
	s18 =	sadd.s32 $0x138000, s2;
	p0 =	sne.s32 s14, $0x0  }
0xc: {  	s21 =	smul.u32 $0x2710, s11;
	_ =	strace $0x80000047;
	s8 =	ssub.s32 $0x2, s11  }
0xd: {  	s13 =	smul.u32 $0x138800, s11;
	s11 =	sshll.u32 s11, $0x7;
	s28 =	sshrl.u32 s8, $0x1  }
0xe: {  	s7 =	sshrl.u32 s7, $0x2;
	s10 =	sadd.s32 s10, s11;
	s9 =	sadd.s32 s9, s21  }
0xf: {  	s15 =	ssub.s32 s8, s28;
	s16 =	sadd.s32 s7, s2;
	s31 =	sshrl.u32 s13, $0x3  }
0x10: {  	s7 =	sor.u32 $0x1C02, s30;
	v0 =	vmov s21;
	s21 =	simm.s32 $0x400;
	s17 =	sshll.u32 s9, $0x4  }
0x11: {  	s13 =	sadd.s32 $0x27000, s31;
	s9 =	smul.u32 $0x2710, s14;
	s14 =	sshrl.u32 s16, $0x3  }
0x12: {  	s16 =	sshrl.u32 @!p0 s18, $0x3;
	s18 =	simm.s32 $0x50;
	s6 =	sadd.s32 s1, s17  }
0x13: {  	s8 =	sadd.s32 s1, s13;
	s11 =	sadd.s32 s12, s17;
	s12 =	sadd.s32 s12, s13  }
0x14: {  	s13 =	smax.u32 s15, $0x1;
	s15 =	simm.s32 $0x2;
	s17 =	simm.s32 $0x80  }
.LBB2_1:
0x15: {  	[spmem:s14], [sflag:s7] =	dma.local [hbm:s6], $0x2700  }
0x16: {  	_ =	swait.ge [sflag:s15], $0x2700  }
0x17: {  	[sflag:s15] =	ssyncset.done $0x0  }
0x18: {  	s24 =	simm.s32 @!p0 $0x2;
	[sflag:s15] =	ssyncadd.s32 $0xFFFFD900  }
0x19: {  	[spmem:s16], [sflag:s7] =	dma.local @!p0 [hbm:s8], $0x100  }
0x1a: {  	_ =	swait.ge @!p0 [sflag:s24], $0x100  }
0x1b: {  	[sflag:s24] =	ssyncset.done @!p0 $0x0  }
0x1c: {  	[sflag:s24] =	ssyncadd.s32 @!p0 $0xFFFFFF00  }
0x1d: {  	s24 =	simm.s32 $0x0;
	[bflag:$0x0] =	sbarrier.arrive $0xFFFF  }
.LBB2_2:
0x1e: {  	s25 =	smul.u32 $0x50, s24;
	_ =	sdelay $0x1  }
0x1f: {  	s25 =	sadd.s32 s9, s25  }
0x20: {  	s26 =	sshrl.u32 s25, $0x3  }
0x21: {  	s28 =	sadd.s32 s4, s26  }
0x22: {  	[tilespmem:s29], [sflag:$0x2] =	stream.linear.gather [hbm4b:s28+s29], $0x50, $0x38;
	[tilespmem:$0x18980] =	vst v63  }
0x23: {  	_ =	swait.ge [sflag:s15], $0x50  }
0x24: {  	[sflag:s15] =	ssyncset.done $0x0  }
0x25: {  	s26 =	sadd.s32 s5, s26;
	[sflag:s15] =	ssyncadd.s32 $0xFFFFFFB0  }
0x26: {  	[tilespmem:s17], [sflag:$0x2] =	stream.linear.gather [hbm4b:s26+s29], $0x50, $0x38;
	[tilespmem:$0x18980] =	vst v63  }
0x27: {  	_ =	swait.ge [sflag:s15], $0x50  }
0x28: {  	[sflag:s15] =	ssyncset.done $0x0  }
0x29: {  	[sflag:s15] =	ssyncadd.s32 $0xFFFFFFB0  }
0x2a: {  	v1 =	vld [tilespmem:$0x0]  }
0x2b: {  	v2 =	vld [tilespmem:$0x10]  }
0x2c: {  	v3 =	vld [tilespmem:$0x20]  }
0x2d: {  	v4 =	vld [tilespmem:$0x30]  }
0x2e: {  	v5 =	vld [tilespmem:$0x40]  }
0x2f: {  	v1 =	vadd.s32 v0, v1  }
0x30: {  	[tilespmem:$0x0] =	vst v1;
	v1 =	vadd.s32 v0, v2  }
0x31: {  	[tilespmem:$0x10] =	vst v1;
	v1 =	vadd.s32 v0, v3  }
0x32: {  	[tilespmem:$0x20] =	vst v1;
	v1 =	vadd.s32 v0, v4  }
0x33: {  	[tilespmem:$0x30] =	vst v1;
	v1 =	vadd.s32 v0, v5  }
0x34: {  	[tilespmem:$0x40] =	vst v1  }
0x35: {  	[tilespmem:s19], [sflag:$0x1] =	stream.indirect.gather [hbm4b:s1+s18], $0x80, s29, s18, $0xb8;
	[tilespmem:$0x18980] =	vst v63  }
0x36: {  	_ =	swait.ge [sflag:s20], $0x2800  }
0x37: {  	s25 =	sshll.u32 s25, $0x5;
	[sflag:s20] =	ssyncset.done $0x0  }
0x38: {  	s25 =	sadd.s32 s25, s10;
	[sflag:s20] =	ssyncadd.s32 $0xFFFFD800  }
0x39: {  	[tilespmem:s23], [sflag:$0x2] =	stream.strided.gather [hbm4b:s25+s21], $0x2800, s22, s21, $0x38;
	[tilespmem:$0x18980] =	vst v63  }
0x3a: {  	_ =	swait.ge [sflag:s15], $0x2800  }
0x3b: {  	[sflag:s15] =	ssyncset.done $0x0  }
0x3c: {  	s25 =	simm.s32 $0x0;
	[sflag:s15] =	ssyncadd.s32 $0xFFFFD800  }
0x3d: {  	v7 =	vld [tilespmem:s25+$0x2900]  }
0x3e: {  	v12 =	vld [tilespmem:s25+$0x2910]  }
0x3f: {  	v6 =	vld [tilespmem:s25+$0x2920]  }
0x40: {  	v5 =	vld [tilespmem:s25+$0x2930]  }
0x41: {  	v4 =	vld [tilespmem:s25+$0x2940]  }
0x42: {  	v3 =	vld [tilespmem:s25+$0x2950]  }
0x43: {  	v2 =	vld [tilespmem:s25+$0x2960]  }
0x44: {  	v1 =	vld [tilespmem:s25+$0x2970]  }
0x45: {  	v13 =	vld [tilespmem:s25+$0x100]  }
0x46: {  	v14 =	vld [tilespmem:s25+$0x110]  }
0x47: {  	v11 =	vld [tilespmem:s25+$0x120]  }
0x48: {  	v10 =	vld [tilespmem:s25+$0x130]  }
0x49: {  	v9 =	vld [tilespmem:s25+$0x140]  }
0x4a: {  	v8 =	vld [tilespmem:s25+$0x150];
	v13 =	vadd.f32 v7, v13  }
0x4b: {  	s26 =	simm.s32 $0x200;
	v12 =	vadd.f32 v12, v14;
	v7 =	vld [tilespmem:s25+$0x160]  }
.LBB2_3:
0x4c: {  	s28 =	sshra.s32 s26, $0x2;
	p1 =	sne.s32 s26, $0x9E00;
	v13 =	vmax.f32 v13, $0.0e+00;
	v6 =	vadd.f32 v6, v11;
	v11 =	vld [tilespmem:s25+$0x170]  }
0x4d: {  	v14 =	vld [tilespmem:s28+$0x2900];
	[tilespmem:s25+$0x100] =	vst v13;
	v12 =	vmax.f32 v12, $0.0e+00;
	v5 =	vadd.f32 v5, v10  }
0x4e: {  	v15 =	vld [tilespmem:s28+$0x2910];
	[tilespmem:s25+$0x110] =	vst v12;
	v10 =	vmax.f32 v6, $0.0e+00;
	v4 =	vadd.f32 v4, v9  }
0x4f: {  	v6 =	vld [tilespmem:s28+$0x2920];
	[tilespmem:s25+$0x120] =	vst v10;
	v9 =	vmax.f32 v5, $0.0e+00;
	v3 =	vadd.f32 v3, v8  }
0x50: {  	v5 =	vld [tilespmem:s28+$0x2930];
	[tilespmem:s25+$0x130] =	vst v9;
	v8 =	vmax.f32 v4, $0.0e+00;
	v2 =	vadd.f32 v2, v7  }
0x51: {  	v4 =	vld [tilespmem:s28+$0x2940];
	[tilespmem:s25+$0x140] =	vst v8;
	v7 =	vmax.f32 v3, $0.0e+00;
	v1 =	vadd.f32 v1, v11  }
0x52: {  	v3 =	vld [tilespmem:s28+$0x2950];
	[tilespmem:s25+$0x150] =	vst v7;
	v7 =	vmax.f32 v2, $0.0e+00  }
0x53: {  	v2 =	vld [tilespmem:s28+$0x2960];
	[tilespmem:s25+$0x160] =	vst v7;
	v7 =	vmax.f32 v1, $0.0e+00  }
0x54: {  	v1 =	vld [tilespmem:s28+$0x2970];
	[tilespmem:s25+$0x170] =	vst v7;
	s25 =	smov.u32 s28  }
0x55: {  	v7 =	vld [tilespmem:s25+$0x100]  }
0x56: {  	v12 =	vld [tilespmem:s25+$0x110]  }
.Ltmp0:
0x57: {  	v11 =	vld [tilespmem:s25+$0x120];
	(pc) =	sbr.rel @p1 .LBB2_3-.Ltmp0, $4  }
0x58: {  	v10 =	vld [tilespmem:s25+$0x130]  }
0x59: {  	v9 =	vld [tilespmem:s25+$0x140]  }
0x5a: {  	v13 =	vadd.f32 v14, v7;
	v8 =	vld [tilespmem:s25+$0x150]  }
0x5b: {  	s26 =	sadd.s32 $0x200, s26;
	v12 =	vadd.f32 v15, v12;
	v7 =	vld [tilespmem:s25+$0x160]  }
0x5c: {  	v13 =	vmax.f32 v13, $0.0e+00;
	v6 =	vadd.f32 v6, v11;
	v63 =	vld [tilespmem:s25+$0x170]  }
0x5d: {  	[tilespmem:s25+$0x100] =	vst v13;
	v12 =	vmax.f32 v12, $0.0e+00;
	v5 =	vadd.f32 v5, v10  }
0x5e: {  	[tilespmem:s25+$0x110] =	vst v12;
	v6 =	vmax.f32 v6, $0.0e+00;
	v4 =	vadd.f32 v4, v9  }
0x5f: {  	[tilespmem:s25+$0x120] =	vst v6;
	v5 =	vmax.f32 v5, $0.0e+00;
	v3 =	vadd.f32 v3, v8  }
0x60: {  	[tilespmem:s25+$0x130] =	vst v5;
	v4 =	vmax.f32 v4, $0.0e+00;
	v2 =	vadd.f32 v2, v7  }
0x61: {  	[tilespmem:s25+$0x140] =	vst v4;
	v3 =	vmax.f32 v3, $0.0e+00;
	v1 =	vadd.f32 v1, v63  }
0x62: {  	s24 =	sadd.s32 $0x1, s24;
	[tilespmem:s25+$0x150] =	vst v3;
	v2 =	vmax.f32 v2, $0.0e+00  }
0x63: {  	p1 =	sne.s32 s24, $0x7D;
	[tilespmem:s25+$0x160] =	vst v2;
	v1 =	vmax.f32 v1, $0.0e+00  }
.Ltmp1:
0x64: {  	[tilespmem:s25+$0x170] =	vst v1;
	(pc) =	sbr.rel @p1 .LBB2_2-.Ltmp1, $4  }
0x65: {  	[spmem:s2] =	stream.indirect.scatter.add.f32 [tilespmem:s19], [sflag:$0x2], $0x80, s17, s18, $0xb8;
	[tilespmem:$0x18980] =	vst v63  }
0x66: {  	_ =	swait.ge [sflag:s15], $0x2800  }
0x67: {  	[sflag:s15] =	ssyncset.done $0x0  }
0x68: {  	[sflag:s15] =	ssyncadd.s32 $0xFFFFD800  }
0x69: {  	[bflag:$0x0] =	sbarrier.arrive $0xFFFF  }
0x6a: {  	[hbm:s11], [sflag:s7] =	dma.local [spmem:s14], $0x2700  }
0x6b: {  	s3 =	sadd.s32 $0x1, s3;
	_ =	swait.ge [sflag:s15], $0x2700  }
0x6c: {  	p1 =	sne.s32 s3, s13;
	[sflag:s15] =	ssyncset.done $0x0  }
.Ltmp2:
0x6d: {  	s24 =	simm.s32 @!p0 $0x2;
	[sflag:s15] =	ssyncadd.s32 $0xFFFFD900;
	(pc) =	sbr.rel @p1 .LBB2_1-.Ltmp2, $4  }
0x6e: {  	[hbm:s12], [sflag:s7] =	dma.local @!p0 [spmem:s16], $0x100  }
0x6f: {  	_ =	swait.ge @!p0 [sflag:s24], $0x100  }
0x70: {  	[sflag:s24] =	ssyncset.done @!p0 $0x0  }
0x71: {  	[sflag:s24] =	ssyncadd.s32 @!p0 $0xFFFFFF00  }
0x72: {  	_ =	sfence.sel $0x180000  }
0x73: {  	[bflag:$0x0] =	sbarrier.arrive $0xFFFF  }
0x74: {  	_ =	strace $0x90000047  }
0x75: {  	s0 =	sadd.s32 @!p0 $0x100000, s0;
	[bflag:$0x2] =	sbarrier.arrive $0xFFFF  }
0x76: {  	[sflag:s0] =	ssyncadd.tile.s32 @!p0 $0x1;
	_ =	shalt  }
.Lfunc_end2:
_tile_overlayer_lowered:
.L_overlay_start_2:
0x77: {  	(tag) =	ssettag $0x2  }
0x78: {  	s0 =	rddreg [dreg:$0x0];
	s2 =	stileid.u32  }
0x79: {  	s1 =	rddreg [dreg:$0x1];
	p0 =	sne.s32 s2, $0x0  }
0x7a: {  	s3 =	rddreg [dreg:$0x2];
	[bflag:$0x3] =	sbarrier.arrive $0xFFFF;
	s2 =	simm.s32 @!p0 $0x1C02  }
0x7b: {  	[timem:s3], [sflag:s2] =	dma.local @!p0 [hbm:s0], s1  }
0x7c: {  	s0 =	simm.s32 @!p0 $0x2  }
0x7d: {  	_ =	swait.ge @!p0 [sflag:s0], s1  }
0x7e: {  	s1 =	ssub.s32 @!p0 $0x0, s1;
	[sflag:s0] =	ssyncset.done @!p0 $0x0  }
0x7f: {  	[sflag:s0] =	ssyncadd.s32 @!p0 s1  }
0x80: {  	[bflag:$0x3] =	sbarrier.arrive $0xFFFF  }
0x81: {  	_ =	shalt  }

</sc_bundles>
